<compile_context>
chip_gen: v7x
topology: tpu7x:2x2x1
jax: 0.10.2.dev20260603
libtpu: 0.0.44.dev20260713+nightly
codegen_flags: <defaults>
</compile_context>

<pallas_src>
import functools

import jax
import jax.numpy as jnp
from jax import lax
from jax.experimental import pallas as pl
from jax.experimental.pallas import tpu as pltpu
from jax.experimental.pallas import tpu_sc as plsc

HID = 128
CHUNK = 128


@functools.lru_cache(maxsize=None)
def _make_gather(n_rows: int, hid: int):
    info = plsc.get_sparse_core_info()
    nc, ns = info.num_cores, info.num_subcores
    nw = nc * ns
    assert n_rows % (nw * CHUNK) == 0
    b_per_w = n_rows // nw
    n_chunks = b_per_w // CHUNK
    mesh = plsc.VectorSubcoreMesh(core_axis_name="c", subcore_axis_name="s")

    @functools.partial(
        pl.kernel,
        mesh=mesh,
        out_type=jax.ShapeDtypeStruct((n_rows, hid), jnp.float32),
        scratch_types=[
            pltpu.VMEM((b_per_w,), jnp.int32),
            pltpu.VMEM((2, CHUNK, hid), jnp.float32),
            pltpu.SemaphoreType.DMA,
            pltpu.SemaphoreType.DMA,
        ],
    )
    def gather(table_hbm, idx_hbm, out_hbm, idx_v, rows_v, sem0, sem1):
        sems = (sem0, sem1)
        wid = lax.axis_index("s") * nc + lax.axis_index("c")
        base = wid * b_per_w
        pltpu.sync_copy(idx_hbm.at[pl.ds(base, b_per_w)], idx_v)
        handles = [None, None]
        handles[0] = pltpu.async_copy(
            table_hbm.at[idx_v.at[pl.ds(0, CHUNK)]], rows_v.at[0], sems[0]
        )
        for c in range(n_chunks):
            buf = c % 2
            nxt = (c + 1) % 2
            if c + 1 < n_chunks:
                handles[nxt] = pltpu.async_copy(
                    table_hbm.at[idx_v.at[pl.ds((c + 1) * CHUNK, CHUNK)]],
                    rows_v.at[nxt],
                    sems[nxt],
                )
            handles[buf].wait()
            pltpu.sync_copy(
                rows_v.at[buf], out_hbm.at[pl.ds(base + c * CHUNK, CHUNK)]
            )

    return gather


def _matmul_block(x_ref, w_ref, b_ref, o_ref):
    o_ref[...] = (
        jnp.dot(x_ref[...], w_ref[...], preferred_element_type=jnp.float32)
        + b_ref[...]
    )


def _matmul_block_into(buf_ref, x_ref, w_ref, b_ref, o_ref):
    del buf_ref
    o_ref[...] = (
        jnp.dot(x_ref[...], w_ref[...], preferred_element_type=jnp.float32)
        + b_ref[...]
    )


BLK = 2048
PIPE = 2


def _project_chunk(buf, x, w, bias2d, g, n_total):
    n, hid = x.shape
    nblk = n // BLK
    off = g * nblk
    x_spec = pl.BlockSpec((BLK, hid), lambda i: (i, 0))
    w_spec = pl.BlockSpec((hid, hid), lambda i: (0, 0))
    b_spec = pl.BlockSpec((1, hid), lambda i: (0, 0))
    out_spec = pl.BlockSpec((BLK, hid), lambda i, o=off: (i + o, 0))
    out_shape = jax.ShapeDtypeStruct((n_total, hid), jnp.float32)
    if buf is None:
        return pl.pallas_call(
            _matmul_block,
            grid=(nblk,),
            in_specs=[x_spec, w_spec, b_spec],
            out_specs=out_spec,
            out_shape=out_shape,
        )(x, w, bias2d)
    return pl.pallas_call(
        _matmul_block_into,
        grid=(nblk,),
        in_specs=[
            pl.BlockSpec(memory_space=pl.ANY),
            x_spec,
            w_spec,
            b_spec,
        ],
        out_specs=out_spec,
        out_shape=out_shape,
        input_output_aliases={0: 0},
    )(buf, x, w, bias2d)


def kernel(input_ids, table, W, b):
    bsz, num_terms, _ = input_ids.shape
    idx = input_ids[:, :, 0].T.reshape(-1)
    n = idx.shape[0]
    rows_pc = n // PIPE
    gather = _make_gather(rows_pc, HID)
    chunks = [
        gather(table, lax.slice(idx, (g * rows_pc,), ((g + 1) * rows_pc,)))
        for g in range(PIPE)
    ]
    bias2d = b.reshape(1, HID)
    out = None
    for g, ch in enumerate(chunks):
        out = _project_chunk(out, ch, W, bias2d, g, n)
    return out.reshape(num_terms, bsz, HID).transpose(1, 0, 2)

# --- scband reference (transcript-rebuilt; emitter-appended) ---
"""Pipeline reference for scband-term-vector-20572893348518 (READ-ONLY COPY).

The authoritative reference and input builder live on the scoring server;
editing this copy changes nothing except your own understanding.
"""

import jax, jax.numpy as jnp
import numpy as np

VOCAB = 100000
HID = 128
B = 4096
T = 20
WLEN = 5


def setup_inputs(seed: int = 0) -> dict:
    key = jax.random.key(seed)
    k1, k2, k3, k4 = jax.random.split(key, 4)
    input_ids = jax.random.randint(k1, (B, T, WLEN), 0, VOCAB, dtype=jnp.int32)
    table = jax.random.normal(k2, (VOCAB, HID), dtype=jnp.float32) * 0.02
    W = jax.random.normal(k3, (HID, HID), dtype=jnp.float32) * 0.001
    b = jnp.zeros((HID,), dtype=jnp.float32)
    return {"input_ids": input_ids, "table": table, "W": W, "b": b}


def reference(input_ids, table, W, b):
    bsz, num_terms, wlen = input_ids.shape
    # flatten to [bsz*num_terms, window_len]
    flat = input_ids.reshape(-1, wlen)
    # take first subword of each term
    first_subword = flat[:, 0]
    # embedding lookup (gather)
    token_output = jnp.take(table, first_subword, axis=0)
    # dense projection
    item_rep = token_output @ W + b
    return item_rep.reshape(bsz, num_terms, HID)

if __name__ == "__main__":
    import jax
    _d = setup_inputs()
    print(jax.jit(kernel)(*tuple(_d.values())))

</pallas_src>

<mosaic_0001>
#map = affine_map<(d0, d1) -> (0, 0)>
#map1 = affine_map<(d0, d1) -> (0)>
module attributes {stable_mosaic.version = 14 : i64} {
  func.func @gather(%arg0: i32, %arg1: i32, %arg2: memref<100000x128xf32, #tpu.memory_space<hbm>>, %arg3: memref<40960xi32, #tpu.memory_space<hbm>>, %arg4: memref<40960x128xf32, #tpu.memory_space<hbm>>, %arg5: memref<1280xi32, #tpu.memory_space<vmem>>, %arg6: memref<2x128x128xf32, #tpu.memory_space<vmem>>, %arg7: memref<!tpu.dma_semaphore, #tpu.memory_space<semaphore_mem>>, %arg8: memref<!tpu.dma_semaphore, #tpu.memory_space<semaphore_mem>>) attributes {dimension_semantics = [#tpu.dimension_semantics<core_parallel>, #tpu.dimension_semantics<subcore_parallel>], iteration_bounds = array<i64: 2, 16>, scalar_prefetch = 0 : i64, scratch_operands = 4 : i64, tpu.core_type = #tpu.core_type<sc_vector_subcore>, window_params = [{transform_indices = #map}, {transform_indices = #map1}, {transform_indices = #map}]} {
    %mul3A = arith.constant 2 : i32
    %mul3A_0 = arith.muli %arg1, %mul3A : i32
    %add3A = arith.addi %mul3A_0, %arg0 : i32
    %mul3A_1 = arith.constant 1280 : i32
    %mul3A_2 = arith.muli %add3A, %mul3A_1 : i32
    "tpu.region"() ({
      %run_scoped3A_230 = tpu.sem_alloc : memref<!tpu.dma_semaphore, #tpu.memory_space<semaphore_mem>>
      %dma_start3A_231 = tpu.memref_slice %arg3[%mul3A_2] : memref<40960xi32, #tpu.memory_space<hbm>> -> memref<1280xi32, #tpu.memory_space<hbm>>
      %dma_start3A_232 = tpu.memref_slice %arg3[%mul3A_2] : memref<40960xi32, #tpu.memory_space<hbm>> -> memref<1280xi32, #tpu.memory_space<hbm>>
      tpu.enqueue_dma source(%dma_start3A_232 : memref<1280xi32, #tpu.memory_space<hbm>>) target(%arg5 : memref<1280xi32, #tpu.memory_space<vmem>>) target_semaphore(%run_scoped3A_230 : memref<!tpu.dma_semaphore, #tpu.memory_space<semaphore_mem>>)
      %dma_wait3A_233 = tpu.memref_slice %arg3[%mul3A_2] : memref<40960xi32, #tpu.memory_space<hbm>> -> memref<1280xi32, #tpu.memory_space<hbm>>
      %dma_wait3A_234 = tpu.memref_slice %arg3[%mul3A_2] : memref<40960xi32, #tpu.memory_space<hbm>> -> memref<1280xi32, #tpu.memory_space<hbm>>
      tpu.wait_dma2 semaphore(%run_scoped3A_230 : memref<!tpu.dma_semaphore, #tpu.memory_space<semaphore_mem>>) src(%dma_wait3A_234 : memref<1280xi32, #tpu.memory_space<hbm>>) dst(%arg5 : memref<1280xi32, #tpu.memory_space<vmem>>)
      tpu.yield
    }) : () -> ()
    %dma_start3A = arith.constant 0 : i32
    %dma_start3A_3 = arith.constant 0 : i32
    %dma_start3A_4 = arith.constant 0 : i32
    %dma_start3A_5 = tpu.memref_slice %arg6[%dma_start3A, %dma_start3A_3, %dma_start3A_4] : memref<2x128x128xf32, #tpu.memory_space<vmem>> -> memref<1x128x128xf32, #tpu.memory_space<vmem>>
    %dma_start3A_6 = tpu.memref_squeeze %dma_start3A_5 : memref<1x128x128xf32, #tpu.memory_space<vmem>> -> memref<128x128xf32, #tpu.memory_space<vmem>>
    %dma_start3A_7 = arith.constant 0 : i32
    %dma_start3A_8 = tpu.memref_slice %arg5[%dma_start3A_7] : memref<1280xi32, #tpu.memory_space<vmem>> -> memref<128xi32, #tpu.memory_space<vmem>>
    %dma_start3A_9 = arith.constant 0 : i32
    %dma_start3A_10 = arith.constant 0 : i32
    %dma_start3A_11 = tpu.memref_slice %arg2[%dma_start3A_9, %dma_start3A_10] : memref<100000x128xf32, #tpu.memory_space<hbm>> -> memref<100000x128xf32, #tpu.memory_space<hbm>>
    tpu.enqueue_indirect_dma source(%dma_start3A_11 : memref<100000x128xf32, #tpu.memory_space<hbm>>) target(%dma_start3A_6 : memref<128x128xf32, #tpu.memory_space<vmem>>) offsets(%dma_start3A_8 : memref<128xi32, #tpu.memory_space<vmem>>) semaphore(%arg7 : memref<!tpu.dma_semaphore, #tpu.memory_space<semaphore_mem>>)
    %dma_start3A_12 = arith.constant 1 : i32
    %dma_start3A_13 = arith.constant 0 : i32
    %dma_start3A_14 = arith.constant 0 : i32
    %dma_start3A_15 = tpu.memref_slice %arg6[%dma_start3A_12, %dma_start3A_13, %dma_start3A_14] : memref<2x128x128xf32, #tpu.memory_space<vmem>> -> memref<1x128x128xf32, #tpu.memory_space<vmem>>
    %dma_start3A_16 = tpu.memref_squeeze %dma_start3A_15 : memref<1x128x128xf32, #tpu.memory_space<vmem>> -> memref<128x128xf32, #tpu.memory_space<vmem>>
    %dma_start3A_17 = arith.constant 128 : i32
    %dma_start3A_18 = tpu.memref_slice %arg5[%dma_start3A_17] : memref<1280xi32, #tpu.memory_space<vmem>> -> memref<128xi32, #tpu.memory_space<vmem>>
    %dma_start3A_19 = arith.constant 0 : i32
    %dma_start3A_20 = arith.constant 0 : i32
    %dma_start3A_21 = tpu.memref_slice %arg2[%dma_start3A_19, %dma_start3A_20] : memref<100000x128xf32, #tpu.memory_space<hbm>> -> memref<100000x128xf32, #tpu.memory_space<hbm>>
    tpu.enqueue_indirect_dma source(%dma_start3A_21 : memref<100000x128xf32, #tpu.memory_space<hbm>>) target(%dma_start3A_16 : memref<128x128xf32, #tpu.memory_space<vmem>>) offsets(%dma_start3A_18 : memref<128xi32, #tpu.memory_space<vmem>>) semaphore(%arg8 : memref<!tpu.dma_semaphore, #tpu.memory_space<semaphore_mem>>)
    %dma_wait3A = arith.constant 0 : i32
    %dma_wait3A_22 = arith.constant 0 : i32
    %dma_wait3A_23 = arith.constant 0 : i32
    %dma_wait3A_24 = tpu.memref_slice %arg6[%dma_wait3A, %dma_wait3A_22, %dma_wait3A_23] : memref<2x128x128xf32, #tpu.memory_space<vmem>> -> memref<1x128x128xf32, #tpu.memory_space<vmem>>
    %dma_wait3A_25 = tpu.memref_squeeze %dma_wait3A_24 : memref<1x128x128xf32, #tpu.memory_space<vmem>> -> memref<128x128xf32, #tpu.memory_space<vmem>>
    %dma_wait3A_26 = arith.constant 0 : i32
    %dma_wait3A_27 = tpu.memref_slice %arg5[%dma_wait3A_26] : memref<1280xi32, #tpu.memory_space<vmem>> -> memref<128xi32, #tpu.memory_space<vmem>>
    %dma_wait3A_28 = arith.constant 0 : i32
    %dma_wait3A_29 = arith.constant 0 : i32
    %dma_wait3A_30 = tpu.memref_slice %arg2[%dma_wait3A_28, %dma_wait3A_29] : memref<100000x128xf32, #tpu.memory_space<hbm>> -> memref<100000x128xf32, #tpu.memory_space<hbm>>
    tpu.wait_indirect_dma semaphore(%arg7 : memref<!tpu.dma_semaphore, #tpu.memory_space<semaphore_mem>>) src(%dma_wait3A_30 : memref<100000x128xf32, #tpu.memory_space<hbm>>) dst(%dma_wait3A_25 : memref<128x128xf32, #tpu.memory_space<vmem>>)
    %add3A_31 = arith.constant 0 : i32
    %add3A_32 = arith.addi %mul3A_2, %add3A_31 : i32
    %run_scoped3A = arith.constant 0 : i32
    "tpu.region"() ({
      %run_scoped3A_230 = tpu.sem_alloc : memref<!tpu.dma_semaphore, #tpu.memory_space<semaphore_mem>>
      %dma_start3A_231 = arith.constant 0 : i32
      %dma_start3A_232 = arith.constant 0 : i32
      %dma_start3A_233 = tpu.memref_slice %arg6[%run_scoped3A, %dma_start3A_231, %dma_start3A_232] : memref<2x128x128xf32, #tpu.memory_space<vmem>> -> memref<1x128x128xf32, #tpu.memory_space<vmem>>
      %dma_start3A_234 = tpu.memref_squeeze %dma_start3A_233 : memref<1x128x128xf32, #tpu.memory_space<vmem>> -> memref<128x128xf32, #tpu.memory_space<vmem>>
      %dma_start3A_235 = arith.constant 0 : i32
      %dma_start3A_236 = tpu.memref_slice %arg4[%add3A_32, %dma_start3A_235] : memref<40960x128xf32, #tpu.memory_space<hbm>> -> memref<128x128xf32, #tpu.memory_space<hbm>>
      %dma_start3A_237 = arith.constant 0 : i32
      %dma_start3A_238 = tpu.memref_slice %arg4[%add3A_32, %dma_start3A_237] : memref<40960x128xf32, #tpu.memory_space<hbm>> -> memref<128x128xf32, #tpu.memory_space<hbm>>
      %dma_start3A_239 = arith.constant 0 : i32
      %dma_start3A_240 = arith.constant 0 : i32
      %dma_start3A_241 = tpu.memref_slice %arg6[%run_scoped3A, %dma_start3A_239, %dma_start3A_240] : memref<2x128x128xf32, #tpu.memory_space<vmem>> -> memref<1x128x128xf32, #tpu.memory_space<vmem>>
      %dma_start3A_242 = tpu.memref_squeeze %dma_start3A_241 : memref<1x128x128xf32, #tpu.memory_space<vmem>> -> memref<128x128xf32, #tpu.memory_space<vmem>>
      tpu.enqueue_dma source(%dma_start3A_242 : memref<128x128xf32, #tpu.memory_space<vmem>>) target(%dma_start3A_238 : memref<128x128xf32, #tpu.memory_space<hbm>>) target_semaphore(%run_scoped3A_230 : memref<!tpu.dma_semaphore, #tpu.memory_space<semaphore_mem>>)
      %dma_wait3A_243 = arith.constant 0 : i32
      %dma_wait3A_244 = arith.constant 0 : i32
      %dma_wait3A_245 = tpu.memref_slice %arg6[%run_scoped3A, %dma_wait3A_243, %dma_wait3A_244] : memref<2x128x128xf32, #tpu.memory_space<vmem>> -> memref<1x128x128xf32, #tpu.memory_space<vmem>>
      %dma_wait3A_246 = tpu.memref_squeeze %dma_wait3A_245 : memref<1x128x128xf32, #tpu.memory_space<vmem>> -> memref<128x128xf32, #tpu.memory_space<vmem>>
      %dma_wait3A_247 = arith.constant 0 : i32
      %dma_wait3A_248 = tpu.memref_slice %arg4[%add3A_32, %dma_wait3A_247] : memref<40960x128xf32, #tpu.memory_space<hbm>> -> memref<128x128xf32, #tpu.memory_space<hbm>>
      %dma_wait3A_249 = arith.constant 0 : i32
      %dma_wait3A_250 = tpu.memref_slice %arg4[%add3A_32, %dma_wait3A_249] : memref<40960x128xf32, #tpu.memory_space<hbm>> -> memref<128x128xf32, #tpu.memory_space<hbm>>
      %dma_wait3A_251 = arith.constant 0 : i32
      %dma_wait3A_252 = arith.constant 0 : i32
      %dma_wait3A_253 = tpu.memref_slice %arg6[%run_scoped3A, %dma_wait3A_251, %dma_wait3A_252] : memref<2x128x128xf32, #tpu.memory_space<vmem>> -> memref<1x128x128xf32, #tpu.memory_space<vmem>>
      %dma_wait3A_254 = tpu.memref_squeeze %dma_wait3A_253 : memref<1x128x128xf32, #tpu.memory_space<vmem>> -> memref<128x128xf32, #tpu.memory_space<vmem>>
      tpu.wait_dma2 semaphore(%run_scoped3A_230 : memref<!tpu.dma_semaphore, #tpu.memory_space<semaphore_mem>>) src(%dma_wait3A_254 : memref<128x128xf32, #tpu.memory_space<vmem>>) dst(%dma_wait3A_250 : memref<128x128xf32, #tpu.memory_space<hbm>>)
      tpu.yield
    }) : () -> ()
    %dma_start3A_33 = arith.constant 0 : i32
    %dma_start3A_34 = arith.constant 0 : i32
    %dma_start3A_35 = arith.constant 0 : i32
    %dma_start3A_36 = tpu.memref_slice %arg6[%dma_start3A_33, %dma_start3A_34, %dma_start3A_35] : memref<2x128x128xf32, #tpu.memory_space<vmem>> -> memref<1x128x128xf32, #tpu.memory_space<vmem>>
    %dma_start3A_37 = tpu.memref_squeeze %dma_start3A_36 : memref<1x128x128xf32, #tpu.memory_space<vmem>> -> memref<128x128xf32, #tpu.memory_space<vmem>>
    %dma_start3A_38 = arith.constant 256 : i32
    %dma_start3A_39 = tpu.memref_slice %arg5[%dma_start3A_38] : memref<1280xi32, #tpu.memory_space<vmem>> -> memref<128xi32, #tpu.memory_space<vmem>>
    %dma_start3A_40 = arith.constant 0 : i32
    %dma_start3A_41 = arith.constant 0 : i32
    %dma_start3A_42 = tpu.memref_slice %arg2[%dma_start3A_40, %dma_start3A_41] : memref<100000x128xf32, #tpu.memory_space<hbm>> -> memref<100000x128xf32, #tpu.memory_space<hbm>>
    tpu.enqueue_indirect_dma source(%dma_start3A_42 : memref<100000x128xf32, #tpu.memory_space<hbm>>) target(%dma_start3A_37 : memref<128x128xf32, #tpu.memory_space<vmem>>) offsets(%dma_start3A_39 : memref<128xi32, #tpu.memory_space<vmem>>) semaphore(%arg7 : memref<!tpu.dma_semaphore, #tpu.memory_space<semaphore_mem>>)
    %dma_wait3A_43 = arith.constant 1 : i32
    %dma_wait3A_44 = arith.constant 0 : i32
    %dma_wait3A_45 = arith.constant 0 : i32
    %dma_wait3A_46 = tpu.memref_slice %arg6[%dma_wait3A_43, %dma_wait3A_44, %dma_wait3A_45] : memref<2x128x128xf32, #tpu.memory_space<vmem>> -> memref<1x128x128xf32, #tpu.memory_space<vmem>>
    %dma_wait3A_47 = tpu.memref_squeeze %dma_wait3A_46 : memref<1x128x128xf32, #tpu.memory_space<vmem>> -> memref<128x128xf32, #tpu.memory_space<vmem>>
    %dma_wait3A_48 = arith.constant 128 : i32
    %dma_wait3A_49 = tpu.memref_slice %arg5[%dma_wait3A_48] : memref<1280xi32, #tpu.memory_space<vmem>> -> memref<128xi32, #tpu.memory_space<vmem>>
    %dma_wait3A_50 = arith.constant 0 : i32
    %dma_wait3A_51 = arith.constant 0 : i32
    %dma_wait3A_52 = tpu.memref_slice %arg2[%dma_wait3A_50, %dma_wait3A_51] : memref<100000x128xf32, #tpu.memory_space<hbm>> -> memref<100000x128xf32, #tpu.memory_space<hbm>>
    tpu.wait_indirect_dma semaphore(%arg8 : memref<!tpu.dma_semaphore, #tpu.memory_space<semaphore_mem>>) src(%dma_wait3A_52 : memref<100000x128xf32, #tpu.memory_space<hbm>>) dst(%dma_wait3A_47 : memref<128x128xf32, #tpu.memory_space<vmem>>)
    %add3A_53 = arith.constant 128 : i32
    %add3A_54 = arith.addi %mul3A_2, %add3A_53 : i32
    %run_scoped3A_55 = arith.constant 1 : i32
    "tpu.region"() ({
      %run_scoped3A_230 = tpu.sem_alloc : memref<!tpu.dma_semaphore, #tpu.memory_space<semaphore_mem>>
      %dma_start3A_231 = arith.constant 0 : i32
      %dma_start3A_232 = arith.constant 0 : i32
      %dma_start3A_233 = tpu.memref_slice %arg6[%run_scoped3A_55, %dma_start3A_231, %dma_start3A_232] : memref<2x128x128xf32, #tpu.memory_space<vmem>> -> memref<1x128x128xf32, #tpu.memory_space<vmem>>
      %dma_start3A_234 = tpu.memref_squeeze %dma_start3A_233 : memref<1x128x128xf32, #tpu.memory_space<vmem>> -> memref<128x128xf32, #tpu.memory_space<vmem>>
      %dma_start3A_235 = arith.constant 0 : i32
      %dma_start3A_236 = tpu.memref_slice %arg4[%add3A_54, %dma_start3A_235] : memref<40960x128xf32, #tpu.memory_space<hbm>> -> memref<128x128xf32, #tpu.memory_space<hbm>>
      %dma_start3A_237 = arith.constant 0 : i32
      %dma_start3A_238 = tpu.memref_slice %arg4[%add3A_54, %dma_start3A_237] : memref<40960x128xf32, #tpu.memory_space<hbm>> -> memref<128x128xf32, #tpu.memory_space<hbm>>
      %dma_start3A_239 = arith.constant 0 : i32
      %dma_start3A_240 = arith.constant 0 : i32
      %dma_start3A_241 = tpu.memref_slice %arg6[%run_scoped3A_55, %dma_start3A_239, %dma_start3A_240] : memref<2x128x128xf32, #tpu.memory_space<vmem>> -> memref<1x128x128xf32, #tpu.memory_space<vmem>>
      %dma_start3A_242 = tpu.memref_squeeze %dma_start3A_241 : memref<1x128x128xf32, #tpu.memory_space<vmem>> -> memref<128x128xf32, #tpu.memory_space<vmem>>
      tpu.enqueue_dma source(%dma_start3A_242 : memref<128x128xf32, #tpu.memory_space<vmem>>) target(%dma_start3A_238 : memref<128x128xf32, #tpu.memory_space<hbm>>) target_semaphore(%run_scoped3A_230 : memref<!tpu.dma_semaphore, #tpu.memory_space<semaphore_mem>>)
      %dma_wait3A_243 = arith.constant 0 : i32
      %dma_wait3A_244 = arith.constant 0 : i32
      %dma_wait3A_245 = tpu.memref_slice %arg6[%run_scoped3A_55, %dma_wait3A_243, %dma_wait3A_244] : memref<2x128x128xf32, #tpu.memory_space<vmem>> -> memref<1x128x128xf32, #tpu.memory_space<vmem>>
      %dma_wait3A_246 = tpu.memref_squeeze %dma_wait3A_245 : memref<1x128x128xf32, #tpu.memory_space<vmem>> -> memref<128x128xf32, #tpu.memory_space<vmem>>
      %dma_wait3A_247 = arith.constant 0 : i32
      %dma_wait3A_248 = tpu.memref_slice %arg4[%add3A_54, %dma_wait3A_247] : memref<40960x128xf32, #tpu.memory_space<hbm>> -> memref<128x128xf32, #tpu.memory_space<hbm>>
      %dma_wait3A_249 = arith.constant 0 : i32
      %dma_wait3A_250 = tpu.memref_slice %arg4[%add3A_54, %dma_wait3A_249] : memref<40960x128xf32, #tpu.memory_space<hbm>> -> memref<128x128xf32, #tpu.memory_space<hbm>>
      %dma_wait3A_251 = arith.constant 0 : i32
      %dma_wait3A_252 = arith.constant 0 : i32
      %dma_wait3A_253 = tpu.memref_slice %arg6[%run_scoped3A_55, %dma_wait3A_251, %dma_wait3A_252] : memref<2x128x128xf32, #tpu.memory_space<vmem>> -> memref<1x128x128xf32, #tpu.memory_space<vmem>>
      %dma_wait3A_254 = tpu.memref_squeeze %dma_wait3A_253 : memref<1x128x128xf32, #tpu.memory_space<vmem>> -> memref<128x128xf32, #tpu.memory_space<vmem>>
      tpu.wait_dma2 semaphore(%run_scoped3A_230 : memref<!tpu.dma_semaphore, #tpu.memory_space<semaphore_mem>>) src(%dma_wait3A_254 : memref<128x128xf32, #tpu.memory_space<vmem>>) dst(%dma_wait3A_250 : memref<128x128xf32, #tpu.memory_space<hbm>>)
      tpu.yield
    }) : () -> ()
    %dma_start3A_56 = arith.constant 1 : i32
    %dma_start3A_57 = arith.constant 0 : i32
    %dma_start3A_58 = arith.constant 0 : i32
    %dma_start3A_59 = tpu.memref_slice %arg6[%dma_start3A_56, %dma_start3A_57, %dma_start3A_58] : memref<2x128x128xf32, #tpu.memory_space<vmem>> -> memref<1x128x128xf32, #tpu.memory_space<vmem>>
    %dma_start3A_60 = tpu.memref_squeeze %dma_start3A_59 : memref<1x128x128xf32, #tpu.memory_space<vmem>> -> memref<128x128xf32, #tpu.memory_space<vmem>>
    %dma_start3A_61 = arith.constant 384 : i32
    %dma_start3A_62 = tpu.memref_slice %arg5[%dma_start3A_61] : memref<1280xi32, #tpu.memory_space<vmem>> -> memref<128xi32, #tpu.memory_space<vmem>>
    %dma_start3A_63 = arith.constant 0 : i32
    %dma_start3A_64 = arith.constant 0 : i32
    %dma_start3A_65 = tpu.memref_slice %arg2[%dma_start3A_63, %dma_start3A_64] : memref<100000x128xf32, #tpu.memory_space<hbm>> -> memref<100000x128xf32, #tpu.memory_space<hbm>>
    tpu.enqueue_indirect_dma source(%dma_start3A_65 : memref<100000x128xf32, #tpu.memory_space<hbm>>) target(%dma_start3A_60 : memref<128x128xf32, #tpu.memory_space<vmem>>) offsets(%dma_start3A_62 : memref<128xi32, #tpu.memory_space<vmem>>) semaphore(%arg8 : memref<!tpu.dma_semaphore, #tpu.memory_space<semaphore_mem>>)
    %dma_wait3A_66 = arith.constant 0 : i32
    %dma_wait3A_67 = arith.constant 0 : i32
    %dma_wait3A_68 = arith.constant 0 : i32
    %dma_wait3A_69 = tpu.memref_slice %arg6[%dma_wait3A_66, %dma_wait3A_67, %dma_wait3A_68] : memref<2x128x128xf32, #tpu.memory_space<vmem>> -> memref<1x128x128xf32, #tpu.memory_space<vmem>>
    %dma_wait3A_70 = tpu.memref_squeeze %dma_wait3A_69 : memref<1x128x128xf32, #tpu.memory_space<vmem>> -> memref<128x128xf32, #tpu.memory_space<vmem>>
    %dma_wait3A_71 = arith.constant 256 : i32
    %dma_wait3A_72 = tpu.memref_slice %arg5[%dma_wait3A_71] : memref<1280xi32, #tpu.memory_space<vmem>> -> memref<128xi32, #tpu.memory_space<vmem>>
    %dma_wait3A_73 = arith.constant 0 : i32
    %dma_wait3A_74 = arith.constant 0 : i32
    %dma_wait3A_75 = tpu.memref_slice %arg2[%dma_wait3A_73, %dma_wait3A_74] : memref<100000x128xf32, #tpu.memory_space<hbm>> -> memref<100000x128xf32, #tpu.memory_space<hbm>>
    tpu.wait_indirect_dma semaphore(%arg7 : memref<!tpu.dma_semaphore, #tpu.memory_space<semaphore_mem>>) src(%dma_wait3A_75 : memref<100000x128xf32, #tpu.memory_space<hbm>>) dst(%dma_wait3A_70 : memref<128x128xf32, #tpu.memory_space<vmem>>)
    %add3A_76 = arith.constant 256 : i32
    %add3A_77 = arith.addi %mul3A_2, %add3A_76 : i32
    %run_scoped3A_78 = arith.constant 0 : i32
    "tpu.region"() ({
      %run_scoped3A_230 = tpu.sem_alloc : memref<!tpu.dma_semaphore, #tpu.memory_space<semaphore_mem>>
      %dma_start3A_231 = arith.constant 0 : i32
      %dma_start3A_232 = arith.constant 0 : i32
      %dma_start3A_233 = tpu.memref_slice %arg6[%run_scoped3A_78, %dma_start3A_231, %dma_start3A_232] : memref<2x128x128xf32, #tpu.memory_space<vmem>> -> memref<1x128x128xf32, #tpu.memory_space<vmem>>
      %dma_start3A_234 = tpu.memref_squeeze %dma_start3A_233 : memref<1x128x128xf32, #tpu.memory_space<vmem>> -> memref<128x128xf32, #tpu.memory_space<vmem>>
      %dma_start3A_235 = arith.constant 0 : i32
      %dma_start3A_236 = tpu.memref_slice %arg4[%add3A_77, %dma_start3A_235] : memref<40960x128xf32, #tpu.memory_space<hbm>> -> memref<128x128xf32, #tpu.memory_space<hbm>>
      %dma_start3A_237 = arith.constant 0 : i32
      %dma_start3A_238 = tpu.memref_slice %arg4[%add3A_77, %dma_start3A_237] : memref<40960x128xf32, #tpu.memory_space<hbm>> -> memref<128x128xf32, #tpu.memory_space<hbm>>
      %dma_start3A_239 = arith.constant 0 : i32
      %dma_start3A_240 = arith.constant 0 : i32
      %dma_start3A_241 = tpu.memref_slice %arg6[%run_scoped3A_78, %dma_start3A_239, %dma_start3A_240] : memref<2x128x128xf32, #tpu.memory_space<vmem>> -> memref<1x128x128xf32, #tpu.memory_space<vmem>>
      %dma_start3A_242 = tpu.memref_squeeze %dma_start3A_241 : memref<1x128x128xf32, #tpu.memory_space<vmem>> -> memref<128x128xf32, #tpu.memory_space<vmem>>
      tpu.enqueue_dma source(%dma_start3A_242 : memref<128x128xf32, #tpu.memory_space<vmem>>) target(%dma_start3A_238 : memref<128x128xf32, #tpu.memory_space<hbm>>) target_semaphore(%run_scoped3A_230 : memref<!tpu.dma_semaphore, #tpu.memory_space<semaphore_mem>>)
      %dma_wait3A_243 = arith.constant 0 : i32
      %dma_wait3A_244 = arith.constant 0 : i32
      %dma_wait3A_245 = tpu.memref_slice %arg6[%run_scoped3A_78, %dma_wait3A_243, %dma_wait3A_244] : memref<2x128x128xf32, #tpu.memory_space<vmem>> -> memref<1x128x128xf32, #tpu.memory_space<vmem>>
      %dma_wait3A_246 = tpu.memref_squeeze %dma_wait3A_245 : memref<1x128x128xf32, #tpu.memory_space<vmem>> -> memref<128x128xf32, #tpu.memory_space<vmem>>
      %dma_wait3A_247 = arith.constant 0 : i32
      %dma_wait3A_248 = tpu.memref_slice %arg4[%add3A_77, %dma_wait3A_247] : memref<40960x128xf32, #tpu.memory_space<hbm>> -> memref<128x128xf32, #tpu.memory_space<hbm>>
      %dma_wait3A_249 = arith.constant 0 : i32
      %dma_wait3A_250 = tpu.memref_slice %arg4[%add3A_77, %dma_wait3A_249] : memref<40960x128xf32, #tpu.memory_space<hbm>> -> memref<128x128xf32, #tpu.memory_space<hbm>>
      %dma_wait3A_251 = arith.constant 0 : i32
      %dma_wait3A_252 = arith.constant 0 : i32
      %dma_wait3A_253 = tpu.memref_slice %arg6[%run_scoped3A_78, %dma_wait3A_251, %dma_wait3A_252] : memref<2x128x128xf32, #tpu.memory_space<vmem>> -> memref<1x128x128xf32, #tpu.memory_space<vmem>>
      %dma_wait3A_254 = tpu.memref_squeeze %dma_wait3A_253 : memref<1x128x128xf32, #tpu.memory_space<vmem>> -> memref<128x128xf32, #tpu.memory_space<vmem>>
      tpu.wait_dma2 semaphore(%run_scoped3A_230 : memref<!tpu.dma_semaphore, #tpu.memory_space<semaphore_mem>>) src(%dma_wait3A_254 : memref<128x128xf32, #tpu.memory_space<vmem>>) dst(%dma_wait3A_250 : memref<128x128xf32, #tpu.memory_space<hbm>>)
      tpu.yield
    }) : () -> ()
    %dma_start3A_79 = arith.constant 0 : i32
    %dma_start3A_80 = arith.constant 0 : i32
    %dma_start3A_81 = arith.constant 0 : i32
    %dma_start3A_82 = tpu.memref_slice %arg6[%dma_start3A_79, %dma_start3A_80, %dma_start3A_81] : memref<2x128x128xf32, #tpu.memory_space<vmem>> -> memref<1x128x128xf32, #tpu.memory_space<vmem>>
    %dma_start3A_83 = tpu.memref_squeeze %dma_start3A_82 : memref<1x128x128xf32, #tpu.memory_space<vmem>> -> memref<128x128xf32, #tpu.memory_space<vmem>>
    %dma_start3A_84 = arith.constant 512 : i32
    %dma_start3A_85 = tpu.memref_slice %arg5[%dma_start3A_84] : memref<1280xi32, #tpu.memory_space<vmem>> -> memref<128xi32, #tpu.memory_space<vmem>>
    %dma_start3A_86 = arith.constant 0 : i32
    %dma_start3A_87 = arith.constant 0 : i32
    %dma_start3A_88 = tpu.memref_slice %arg2[%dma_start3A_86, %dma_start3A_87] : memref<100000x128xf32, #tpu.memory_space<hbm>> -> memref<100000x128xf32, #tpu.memory_space<hbm>>
    tpu.enqueue_indirect_dma source(%dma_start3A_88 : memref<100000x128xf32, #tpu.memory_space<hbm>>) target(%dma_start3A_83 : memref<128x128xf32, #tpu.memory_space<vmem>>) offsets(%dma_start3A_85 : memref<128xi32, #tpu.memory_space<vmem>>) semaphore(%arg7 : memref<!tpu.dma_semaphore, #tpu.memory_space<semaphore_mem>>)
    %dma_wait3A_89 = arith.constant 1 : i32
    %dma_wait3A_90 = arith.constant 0 : i32
    %dma_wait3A_91 = arith.constant 0 : i32
    %dma_wait3A_92 = tpu.memref_slice %arg6[%dma_wait3A_89, %dma_wait3A_90, %dma_wait3A_91] : memref<2x128x128xf32, #tpu.memory_space<vmem>> -> memref<1x128x128xf32, #tpu.memory_space<vmem>>
    %dma_wait3A_93 = tpu.memref_squeeze %dma_wait3A_92 : memref<1x128x128xf32, #tpu.memory_space<vmem>> -> memref<128x128xf32, #tpu.memory_space<vmem>>
    %dma_wait3A_94 = arith.constant 384 : i32
    %dma_wait3A_95 = tpu.memref_slice %arg5[%dma_wait3A_94] : memref<1280xi32, #tpu.memory_space<vmem>> -> memref<128xi32, #tpu.memory_space<vmem>>
    %dma_wait3A_96 = arith.constant 0 : i32
    %dma_wait3A_97 = arith.constant 0 : i32
    %dma_wait3A_98 = tpu.memref_slice %arg2[%dma_wait3A_96, %dma_wait3A_97] : memref<100000x128xf32, #tpu.memory_space<hbm>> -> memref<100000x128xf32, #tpu.memory_space<hbm>>
    tpu.wait_indirect_dma semaphore(%arg8 : memref<!tpu.dma_semaphore, #tpu.memory_space<semaphore_mem>>) src(%dma_wait3A_98 : memref<100000x128xf32, #tpu.memory_space<hbm>>) dst(%dma_wait3A_93 : memref<128x128xf32, #tpu.memory_space<vmem>>)
    %add3A_99 = arith.constant 384 : i32
    %add3A_100 = arith.addi %mul3A_2, %add3A_99 : i32
    %run_scoped3A_101 = arith.constant 1 : i32
    "tpu.region"() ({
      %run_scoped3A_230 = tpu.sem_alloc : memref<!tpu.dma_semaphore, #tpu.memory_space<semaphore_mem>>
      %dma_start3A_231 = arith.constant 0 : i32
      %dma_start3A_232 = arith.constant 0 : i32
      %dma_start3A_233 = tpu.memref_slice %arg6[%run_scoped3A_101, %dma_start3A_231, %dma_start3A_232] : memref<2x128x128xf32, #tpu.memory_space<vmem>> -> memref<1x128x128xf32, #tpu.memory_space<vmem>>
      %dma_start3A_234 = tpu.memref_squeeze %dma_start3A_233 : memref<1x128x128xf32, #tpu.memory_space<vmem>> -> memref<128x128xf32, #tpu.memory_space<vmem>>
      %dma_start3A_235 = arith.constant 0 : i32
      %dma_start3A_236 = tpu.memref_slice %arg4[%add3A_100, %dma_start3A_235] : memref<40960x128xf32, #tpu.memory_space<hbm>> -> memref<128x128xf32, #tpu.memory_space<hbm>>
      %dma_start3A_237 = arith.constant 0 : i32
      %dma_start3A_238 = tpu.memref_slice %arg4[%add3A_100, %dma_start3A_237] : memref<40960x128xf32, #tpu.memory_space<hbm>> -> memref<128x128xf32, #tpu.memory_space<hbm>>
      %dma_start3A_239 = arith.constant 0 : i32
      %dma_start3A_240 = arith.constant 0 : i32
      %dma_start3A_241 = tpu.memref_slice %arg6[%run_scoped3A_101, %dma_start3A_239, %dma_start3A_240] : memref<2x128x128xf32, #tpu.memory_space<vmem>> -> memref<1x128x128xf32, #tpu.memory_space<vmem>>
      %dma_start3A_242 = tpu.memref_squeeze %dma_start3A_241 : memref<1x128x128xf32, #tpu.memory_space<vmem>> -> memref<128x128xf32, #tpu.memory_space<vmem>>
      tpu.enqueue_dma source(%dma_start3A_242 : memref<128x128xf32, #tpu.memory_space<vmem>>) target(%dma_start3A_238 : memref<128x128xf32, #tpu.memory_space<hbm>>) target_semaphore(%run_scoped3A_230 : memref<!tpu.dma_semaphore, #tpu.memory_space<semaphore_mem>>)
      %dma_wait3A_243 = arith.constant 0 : i32
      %dma_wait3A_244 = arith.constant 0 : i32
      %dma_wait3A_245 = tpu.memref_slice %arg6[%run_scoped3A_101, %dma_wait3A_243, %dma_wait3A_244] : memref<2x128x128xf32, #tpu.memory_space<vmem>> -> memref<1x128x128xf32, #tpu.memory_space<vmem>>
      %dma_wait3A_246 = tpu.memref_squeeze %dma_wait3A_245 : memref<1x128x128xf32, #tpu.memory_space<vmem>> -> memref<128x128xf32, #tpu.memory_space<vmem>>
      %dma_wait3A_247 = arith.constant 0 : i32
      %dma_wait3A_248 = tpu.memref_slice %arg4[%add3A_100, %dma_wait3A_247] : memref<40960x128xf32, #tpu.memory_space<hbm>> -> memref<128x128xf32, #tpu.memory_space<hbm>>
      %dma_wait3A_249 = arith.constant 0 : i32
      %dma_wait3A_250 = tpu.memref_slice %arg4[%add3A_100, %dma_wait3A_249] : memref<40960x128xf32, #tpu.memory_space<hbm>> -> memref<128x128xf32, #tpu.memory_space<hbm>>
      %dma_wait3A_251 = arith.constant 0 : i32
      %dma_wait3A_252 = arith.constant 0 : i32
      %dma_wait3A_253 = tpu.memref_slice %arg6[%run_scoped3A_101, %dma_wait3A_251, %dma_wait3A_252] : memref<2x128x128xf32, #tpu.memory_space<vmem>> -> memref<1x128x128xf32, #tpu.memory_space<vmem>>
      %dma_wait3A_254 = tpu.memref_squeeze %dma_wait3A_253 : memref<1x128x128xf32, #tpu.memory_space<vmem>> -> memref<128x128xf32, #tpu.memory_space<vmem>>
      tpu.wait_dma2 semaphore(%run_scoped3A_230 : memref<!tpu.dma_semaphore, #tpu.memory_space<semaphore_mem>>) src(%dma_wait3A_254 : memref<128x128xf32, #tpu.memory_space<vmem>>) dst(%dma_wait3A_250 : memref<128x128xf32, #tpu.memory_space<hbm>>)
      tpu.yield
    }) : () -> ()
    %dma_start3A_102 = arith.constant 1 : i32
    %dma_start3A_103 = arith.constant 0 : i32
    %dma_start3A_104 = arith.constant 0 : i32
    %dma_start3A_105 = tpu.memref_slice %arg6[%dma_start3A_102, %dma_start3A_103, %dma_start3A_104] : memref<2x128x128xf32, #tpu.memory_space<vmem>> -> memref<1x128x128xf32, #tpu.memory_space<vmem>>
    %dma_start3A_106 = tpu.memref_squeeze %dma_start3A_105 : memref<1x128x128xf32, #tpu.memory_space<vmem>> -> memref<128x128xf32, #tpu.memory_space<vmem>>
    %dma_start3A_107 = arith.constant 640 : i32
    %dma_start3A_108 = tpu.memref_slice %arg5[%dma_start3A_107] : memref<1280xi32, #tpu.memory_space<vmem>> -> memref<128xi32, #tpu.memory_space<vmem>>
    %dma_start3A_109 = arith.constant 0 : i32
    %dma_start3A_110 = arith.constant 0 : i32
    %dma_start3A_111 = tpu.memref_slice %arg2[%dma_start3A_109, %dma_start3A_110] : memref<100000x128xf32, #tpu.memory_space<hbm>> -> memref<100000x128xf32, #tpu.memory_space<hbm>>
    tpu.enqueue_indirect_dma source(%dma_start3A_111 : memref<100000x128xf32, #tpu.memory_space<hbm>>) target(%dma_start3A_106 : memref<128x128xf32, #tpu.memory_space<vmem>>) offsets(%dma_start3A_108 : memref<128xi32, #tpu.memory_space<vmem>>) semaphore(%arg8 : memref<!tpu.dma_semaphore, #tpu.memory_space<semaphore_mem>>)
    %dma_wait3A_112 = arith.constant 0 : i32
    %dma_wait3A_113 = arith.constant 0 : i32
    %dma_wait3A_114 = arith.constant 0 : i32
    %dma_wait3A_115 = tpu.memref_slice %arg6[%dma_wait3A_112, %dma_wait3A_113, %dma_wait3A_114] : memref<2x128x128xf32, #tpu.memory_space<vmem>> -> memref<1x128x128xf32, #tpu.memory_space<vmem>>
    %dma_wait3A_116 = tpu.memref_squeeze %dma_wait3A_115 : memref<1x128x128xf32, #tpu.memory_space<vmem>> -> memref<128x128xf32, #tpu.memory_space<vmem>>
    %dma_wait3A_117 = arith.constant 512 : i32
    %dma_wait3A_118 = tpu.memref_slice %arg5[%dma_wait3A_117] : memref<1280xi32, #tpu.memory_space<vmem>> -> memref<128xi32, #tpu.memory_space<vmem>>
    %dma_wait3A_119 = arith.constant 0 : i32
    %dma_wait3A_120 = arith.constant 0 : i32
    %dma_wait3A_121 = tpu.memref_slice %arg2[%dma_wait3A_119, %dma_wait3A_120] : memref<100000x128xf32, #tpu.memory_space<hbm>> -> memref<100000x128xf32, #tpu.memory_space<hbm>>
    tpu.wait_indirect_dma semaphore(%arg7 : memref<!tpu.dma_semaphore, #tpu.memory_space<semaphore_mem>>) src(%dma_wait3A_121 : memref<100000x128xf32, #tpu.memory_space<hbm>>) dst(%dma_wait3A_116 : memref<128x128xf32, #tpu.memory_space<vmem>>)
    %add3A_122 = arith.constant 512 : i32
    %add3A_123 = arith.addi %mul3A_2, %add3A_122 : i32
    %run_scoped3A_124 = arith.constant 0 : i32
    "tpu.region"() ({
      %run_scoped3A_230 = tpu.sem_alloc : memref<!tpu.dma_semaphore, #tpu.memory_space<semaphore_mem>>
      %dma_start3A_231 = arith.constant 0 : i32
      %dma_start3A_232 = arith.constant 0 : i32
      %dma_start3A_233 = tpu.memref_slice %arg6[%run_scoped3A_124, %dma_start3A_231, %dma_start3A_232] : memref<2x128x128xf32, #tpu.memory_space<vmem>> -> memref<1x128x128xf32, #tpu.memory_space<vmem>>
      %dma_start3A_234 = tpu.memref_squeeze %dma_start3A_233 : memref<1x128x128xf32, #tpu.memory_space<vmem>> -> memref<128x128xf32, #tpu.memory_space<vmem>>
      %dma_start3A_235 = arith.constant 0 : i32
      %dma_start3A_236 = tpu.memref_slice %arg4[%add3A_123, %dma_start3A_235] : memref<40960x128xf32, #tpu.memory_space<hbm>> -> memref<128x128xf32, #tpu.memory_space<hbm>>
      %dma_start3A_237 = arith.constant 0 : i32
      %dma_start3A_238 = tpu.memref_slice %arg4[%add3A_123, %dma_start3A_237] : memref<40960x128xf32, #tpu.memory_space<hbm>> -> memref<128x128xf32, #tpu.memory_space<hbm>>
      %dma_start3A_239 = arith.constant 0 : i32
      %dma_start3A_240 = arith.constant 0 : i32
      %dma_start3A_241 = tpu.memref_slice %arg6[%run_scoped3A_124, %dma_start3A_239, %dma_start3A_240] : memref<2x128x128xf32, #tpu.memory_space<vmem>> -> memref<1x128x128xf32, #tpu.memory_space<vmem>>
      %dma_start3A_242 = tpu.memref_squeeze %dma_start3A_241 : memref<1x128x128xf32, #tpu.memory_space<vmem>> -> memref<128x128xf32, #tpu.memory_space<vmem>>
      tpu.enqueue_dma source(%dma_start3A_242 : memref<128x128xf32, #tpu.memory_space<vmem>>) target(%dma_start3A_238 : memref<128x128xf32, #tpu.memory_space<hbm>>) target_semaphore(%run_scoped3A_230 : memref<!tpu.dma_semaphore, #tpu.memory_space<semaphore_mem>>)
      %dma_wait3A_243 = arith.constant 0 : i32
      %dma_wait3A_244 = arith.constant 0 : i32
      %dma_wait3A_245 = tpu.memref_slice %arg6[%run_scoped3A_124, %dma_wait3A_243, %dma_wait3A_244] : memref<2x128x128xf32, #tpu.memory_space<vmem>> -> memref<1x128x128xf32, #tpu.memory_space<vmem>>
      %dma_wait3A_246 = tpu.memref_squeeze %dma_wait3A_245 : memref<1x128x128xf32, #tpu.memory_space<vmem>> -> memref<128x128xf32, #tpu.memory_space<vmem>>
      %dma_wait3A_247 = arith.constant 0 : i32
      %dma_wait3A_248 = tpu.memref_slice %arg4[%add3A_123, %dma_wait3A_247] : memref<40960x128xf32, #tpu.memory_space<hbm>> -> memref<128x128xf32, #tpu.memory_space<hbm>>
      %dma_wait3A_249 = arith.constant 0 : i32
      %dma_wait3A_250 = tpu.memref_slice %arg4[%add3A_123, %dma_wait3A_249] : memref<40960x128xf32, #tpu.memory_space<hbm>> -> memref<128x128xf32, #tpu.memory_space<hbm>>
      %dma_wait3A_251 = arith.constant 0 : i32
      %dma_wait3A_252 = arith.constant 0 : i32
      %dma_wait3A_253 = tpu.memref_slice %arg6[%run_scoped3A_124, %dma_wait3A_251, %dma_wait3A_252] : memref<2x128x128xf32, #tpu.memory_space<vmem>> -> memref<1x128x128xf32, #tpu.memory_space<vmem>>
      %dma_wait3A_254 = tpu.memref_squeeze %dma_wait3A_253 : memref<1x128x128xf32, #tpu.memory_space<vmem>> -> memref<128x128xf32, #tpu.memory_space<vmem>>
      tpu.wait_dma2 semaphore(%run_scoped3A_230 : memref<!tpu.dma_semaphore, #tpu.memory_space<semaphore_mem>>) src(%dma_wait3A_254 : memref<128x128xf32, #tpu.memory_space<vmem>>) dst(%dma_wait3A_250 : memref<128x128xf32, #tpu.memory_space<hbm>>)
      tpu.yield
    }) : () -> ()
    %dma_start3A_125 = arith.constant 0 : i32
    %dma_start3A_126 = arith.constant 0 : i32
    %dma_start3A_127 = arith.constant 0 : i32
    %dma_start3A_128 = tpu.memref_slice %arg6[%dma_start3A_125, %dma_start3A_126, %dma_start3A_127] : memref<2x128x128xf32, #tpu.memory_space<vmem>> -> memref<1x128x128xf32, #tpu.memory_space<vmem>>
    %dma_start3A_129 = tpu.memref_squeeze %dma_start3A_128 : memref<1x128x128xf32, #tpu.memory_space<vmem>> -> memref<128x128xf32, #tpu.memory_space<vmem>>
    %dma_start3A_130 = arith.constant 768 : i32
    %dma_start3A_131 = tpu.memref_slice %arg5[%dma_start3A_130] : memref<1280xi32, #tpu.memory_space<vmem>> -> memref<128xi32, #tpu.memory_space<vmem>>
    %dma_start3A_132 = arith.constant 0 : i32
    %dma_start3A_133 = arith.constant 0 : i32
    %dma_start3A_134 = tpu.memref_slice %arg2[%dma_start3A_132, %dma_start3A_133] : memref<100000x128xf32, #tpu.memory_space<hbm>> -> memref<100000x128xf32, #tpu.memory_space<hbm>>
    tpu.enqueue_indirect_dma source(%dma_start3A_134 : memref<100000x128xf32, #tpu.memory_space<hbm>>) target(%dma_start3A_129 : memref<128x128xf32, #tpu.memory_space<vmem>>) offsets(%dma_start3A_131 : memref<128xi32, #tpu.memory_space<vmem>>) semaphore(%arg7 : memref<!tpu.dma_semaphore, #tpu.memory_space<semaphore_mem>>)
    %dma_wait3A_135 = arith.constant 1 : i32
    %dma_wait3A_136 = arith.constant 0 : i32
    %dma_wait3A_137 = arith.constant 0 : i32
    %dma_wait3A_138 = tpu.memref_slice %arg6[%dma_wait3A_135, %dma_wait3A_136, %dma_wait3A_137] : memref<2x128x128xf32, #tpu.memory_space<vmem>> -> memref<1x128x128xf32, #tpu.memory_space<vmem>>
    %dma_wait3A_139 = tpu.memref_squeeze %dma_wait3A_138 : memref<1x128x128xf32, #tpu.memory_space<vmem>> -> memref<128x128xf32, #tpu.memory_space<vmem>>
    %dma_wait3A_140 = arith.constant 640 : i32
    %dma_wait3A_141 = tpu.memref_slice %arg5[%dma_wait3A_140] : memref<1280xi32, #tpu.memory_space<vmem>> -> memref<128xi32, #tpu.memory_space<vmem>>
    %dma_wait3A_142 = arith.constant 0 : i32
    %dma_wait3A_143 = arith.constant 0 : i32
    %dma_wait3A_144 = tpu.memref_slice %arg2[%dma_wait3A_142, %dma_wait3A_143] : memref<100000x128xf32, #tpu.memory_space<hbm>> -> memref<100000x128xf32, #tpu.memory_space<hbm>>
    tpu.wait_indirect_dma semaphore(%arg8 : memref<!tpu.dma_semaphore, #tpu.memory_space<semaphore_mem>>) src(%dma_wait3A_144 : memref<100000x128xf32, #tpu.memory_space<hbm>>) dst(%dma_wait3A_139 : memref<128x128xf32, #tpu.memory_space<vmem>>)
    %add3A_145 = arith.constant 640 : i32
    %add3A_146 = arith.addi %mul3A_2, %add3A_145 : i32
    %run_scoped3A_147 = arith.constant 1 : i32
    "tpu.region"() ({
      %run_scoped3A_230 = tpu.sem_alloc : memref<!tpu.dma_semaphore, #tpu.memory_space<semaphore_mem>>
      %dma_start3A_231 = arith.constant 0 : i32
      %dma_start3A_232 = arith.constant 0 : i32
      %dma_start3A_233 = tpu.memref_slice %arg6[%run_scoped3A_147, %dma_start3A_231, %dma_start3A_232] : memref<2x128x128xf32, #tpu.memory_space<vmem>> -> memref<1x128x128xf32, #tpu.memory_space<vmem>>
      %dma_start3A_234 = tpu.memref_squeeze %dma_start3A_233 : memref<1x128x128xf32, #tpu.memory_space<vmem>> -> memref<128x128xf32, #tpu.memory_space<vmem>>
      %dma_start3A_235 = arith.constant 0 : i32
      %dma_start3A_236 = tpu.memref_slice %arg4[%add3A_146, %dma_start3A_235] : memref<40960x128xf32, #tpu.memory_space<hbm>> -> memref<128x128xf32, #tpu.memory_space<hbm>>
      %dma_start3A_237 = arith.constant 0 : i32
      %dma_start3A_238 = tpu.memref_slice %arg4[%add3A_146, %dma_start3A_237] : memref<40960x128xf32, #tpu.memory_space<hbm>> -> memref<128x128xf32, #tpu.memory_space<hbm>>
      %dma_start3A_239 = arith.constant 0 : i32
      %dma_start3A_240 = arith.constant 0 : i32
      %dma_start3A_241 = tpu.memref_slice %arg6[%run_scoped3A_147, %dma_start3A_239, %dma_start3A_240] : memref<2x128x128xf32, #tpu.memory_space<vmem>> -> memref<1x128x128xf32, #tpu.memory_space<vmem>>
      %dma_start3A_242 = tpu.memref_squeeze %dma_start3A_241 : memref<1x128x128xf32, #tpu.memory_space<vmem>> -> memref<128x128xf32, #tpu.memory_space<vmem>>
      tpu.enqueue_dma source(%dma_start3A_242 : memref<128x128xf32, #tpu.memory_space<vmem>>) target(%dma_start3A_238 : memref<128x128xf32, #tpu.memory_space<hbm>>) target_semaphore(%run_scoped3A_230 : memref<!tpu.dma_semaphore, #tpu.memory_space<semaphore_mem>>)
      %dma_wait3A_243 = arith.constant 0 : i32
      %dma_wait3A_244 = arith.constant 0 : i32
      %dma_wait3A_245 = tpu.memref_slice %arg6[%run_scoped3A_147, %dma_wait3A_243, %dma_wait3A_244] : memref<2x128x128xf32, #tpu.memory_space<vmem>> -> memref<1x128x128xf32, #tpu.memory_space<vmem>>
      %dma_wait3A_246 = tpu.memref_squeeze %dma_wait3A_245 : memref<1x128x128xf32, #tpu.memory_space<vmem>> -> memref<128x128xf32, #tpu.memory_space<vmem>>
      %dma_wait3A_247 = arith.constant 0 : i32
      %dma_wait3A_248 = tpu.memref_slice %arg4[%add3A_146, %dma_wait3A_247] : memref<40960x128xf32, #tpu.memory_space<hbm>> -> memref<128x128xf32, #tpu.memory_space<hbm>>
      %dma_wait3A_249 = arith.constant 0 : i32
      %dma_wait3A_250 = tpu.memref_slice %arg4[%add3A_146, %dma_wait3A_249] : memref<40960x128xf32, #tpu.memory_space<hbm>> -> memref<128x128xf32, #tpu.memory_space<hbm>>
      %dma_wait3A_251 = arith.constant 0 : i32
      %dma_wait3A_252 = arith.constant 0 : i32
      %dma_wait3A_253 = tpu.memref_slice %arg6[%run_scoped3A_147, %dma_wait3A_251, %dma_wait3A_252] : memref<2x128x128xf32, #tpu.memory_space<vmem>> -> memref<1x128x128xf32, #tpu.memory_space<vmem>>
      %dma_wait3A_254 = tpu.memref_squeeze %dma_wait3A_253 : memref<1x128x128xf32, #tpu.memory_space<vmem>> -> memref<128x128xf32, #tpu.memory_space<vmem>>
      tpu.wait_dma2 semaphore(%run_scoped3A_230 : memref<!tpu.dma_semaphore, #tpu.memory_space<semaphore_mem>>) src(%dma_wait3A_254 : memref<128x128xf32, #tpu.memory_space<vmem>>) dst(%dma_wait3A_250 : memref<128x128xf32, #tpu.memory_space<hbm>>)
      tpu.yield
    }) : () -> ()
    %dma_start3A_148 = arith.constant 1 : i32
    %dma_start3A_149 = arith.constant 0 : i32
    %dma_start3A_150 = arith.constant 0 : i32
    %dma_start3A_151 = tpu.memref_slice %arg6[%dma_start3A_148, %dma_start3A_149, %dma_start3A_150] : memref<2x128x128xf32, #tpu.memory_space<vmem>> -> memref<1x128x128xf32, #tpu.memory_space<vmem>>
    %dma_start3A_152 = tpu.memref_squeeze %dma_start3A_151 : memref<1x128x128xf32, #tpu.memory_space<vmem>> -> memref<128x128xf32, #tpu.memory_space<vmem>>
    %dma_start3A_153 = arith.constant 896 : i32
    %dma_start3A_154 = tpu.memref_slice %arg5[%dma_start3A_153] : memref<1280xi32, #tpu.memory_space<vmem>> -> memref<128xi32, #tpu.memory_space<vmem>>
    %dma_start3A_155 = arith.constant 0 : i32
    %dma_start3A_156 = arith.constant 0 : i32
    %dma_start3A_157 = tpu.memref_slice %arg2[%dma_start3A_155, %dma_start3A_156] : memref<100000x128xf32, #tpu.memory_space<hbm>> -> memref<100000x128xf32, #tpu.memory_space<hbm>>
    tpu.enqueue_indirect_dma source(%dma_start3A_157 : memref<100000x128xf32, #tpu.memory_space<hbm>>) target(%dma_start3A_152 : memref<128x128xf32, #tpu.memory_space<vmem>>) offsets(%dma_start3A_154 : memref<128xi32, #tpu.memory_space<vmem>>) semaphore(%arg8 : memref<!tpu.dma_semaphore, #tpu.memory_space<semaphore_mem>>)
    %dma_wait3A_158 = arith.constant 0 : i32
    %dma_wait3A_159 = arith.constant 0 : i32
    %dma_wait3A_160 = arith.constant 0 : i32
    %dma_wait3A_161 = tpu.memref_slice %arg6[%dma_wait3A_158, %dma_wait3A_159, %dma_wait3A_160] : memref<2x128x128xf32, #tpu.memory_space<vmem>> -> memref<1x128x128xf32, #tpu.memory_space<vmem>>
    %dma_wait3A_162 = tpu.memref_squeeze %dma_wait3A_161 : memref<1x128x128xf32, #tpu.memory_space<vmem>> -> memref<128x128xf32, #tpu.memory_space<vmem>>
    %dma_wait3A_163 = arith.constant 768 : i32
    %dma_wait3A_164 = tpu.memref_slice %arg5[%dma_wait3A_163] : memref<1280xi32, #tpu.memory_space<vmem>> -> memref<128xi32, #tpu.memory_space<vmem>>
    %dma_wait3A_165 = arith.constant 0 : i32
    %dma_wait3A_166 = arith.constant 0 : i32
    %dma_wait3A_167 = tpu.memref_slice %arg2[%dma_wait3A_165, %dma_wait3A_166] : memref<100000x128xf32, #tpu.memory_space<hbm>> -> memref<100000x128xf32, #tpu.memory_space<hbm>>
    tpu.wait_indirect_dma semaphore(%arg7 : memref<!tpu.dma_semaphore, #tpu.memory_space<semaphore_mem>>) src(%dma_wait3A_167 : memref<100000x128xf32, #tpu.memory_space<hbm>>) dst(%dma_wait3A_162 : memref<128x128xf32, #tpu.memory_space<vmem>>)
    %add3A_168 = arith.constant 768 : i32
    %add3A_169 = arith.addi %mul3A_2, %add3A_168 : i32
    %run_scoped3A_170 = arith.constant 0 : i32
    "tpu.region"() ({
      %run_scoped3A_230 = tpu.sem_alloc : memref<!tpu.dma_semaphore, #tpu.memory_space<semaphore_mem>>
      %dma_start3A_231 = arith.constant 0 : i32
      %dma_start3A_232 = arith.constant 0 : i32
      %dma_start3A_233 = tpu.memref_slice %arg6[%run_scoped3A_170, %dma_start3A_231, %dma_start3A_232] : memref<2x128x128xf32, #tpu.memory_space<vmem>> -> memref<1x128x128xf32, #tpu.memory_space<vmem>>
      %dma_start3A_234 = tpu.memref_squeeze %dma_start3A_233 : memref<1x128x128xf32, #tpu.memory_space<vmem>> -> memref<128x128xf32, #tpu.memory_space<vmem>>
      %dma_start3A_235 = arith.constant 0 : i32
      %dma_start3A_236 = tpu.memref_slice %arg4[%add3A_169, %dma_start3A_235] : memref<40960x128xf32, #tpu.memory_space<hbm>> -> memref<128x128xf32, #tpu.memory_space<hbm>>
      %dma_start3A_237 = arith.constant 0 : i32
      %dma_start3A_238 = tpu.memref_slice %arg4[%add3A_169, %dma_start3A_237] : memref<40960x128xf32, #tpu.memory_space<hbm>> -> memref<128x128xf32, #tpu.memory_space<hbm>>
      %dma_start3A_239 = arith.constant 0 : i32
      %dma_start3A_240 = arith.constant 0 : i32
      %dma_start3A_241 = tpu.memref_slice %arg6[%run_scoped3A_170, %dma_start3A_239, %dma_start3A_240] : memref<2x128x128xf32, #tpu.memory_space<vmem>> -> memref<1x128x128xf32, #tpu.memory_space<vmem>>
      %dma_start3A_242 = tpu.memref_squeeze %dma_start3A_241 : memref<1x128x128xf32, #tpu.memory_space<vmem>> -> memref<128x128xf32, #tpu.memory_space<vmem>>
      tpu.enqueue_dma source(%dma_start3A_242 : memref<128x128xf32, #tpu.memory_space<vmem>>) target(%dma_start3A_238 : memref<128x128xf32, #tpu.memory_space<hbm>>) target_semaphore(%run_scoped3A_230 : memref<!tpu.dma_semaphore, #tpu.memory_space<semaphore_mem>>)
      %dma_wait3A_243 = arith.constant 0 : i32
      %dma_wait3A_244 = arith.constant 0 : i32
      %dma_wait3A_245 = tpu.memref_slice %arg6[%run_scoped3A_170, %dma_wait3A_243, %dma_wait3A_244] : memref<2x128x128xf32, #tpu.memory_space<vmem>> -> memref<1x128x128xf32, #tpu.memory_space<vmem>>
      %dma_wait3A_246 = tpu.memref_squeeze %dma_wait3A_245 : memref<1x128x128xf32, #tpu.memory_space<vmem>> -> memref<128x128xf32, #tpu.memory_space<vmem>>
      %dma_wait3A_247 = arith.constant 0 : i32
      %dma_wait3A_248 = tpu.memref_slice %arg4[%add3A_169, %dma_wait3A_247] : memref<40960x128xf32, #tpu.memory_space<hbm>> -> memref<128x128xf32, #tpu.memory_space<hbm>>
      %dma_wait3A_249 = arith.constant 0 : i32
      %dma_wait3A_250 = tpu.memref_slice %arg4[%add3A_169, %dma_wait3A_249] : memref<40960x128xf32, #tpu.memory_space<hbm>> -> memref<128x128xf32, #tpu.memory_space<hbm>>
      %dma_wait3A_251 = arith.constant 0 : i32
      %dma_wait3A_252 = arith.constant 0 : i32
      %dma_wait3A_253 = tpu.memref_slice %arg6[%run_scoped3A_170, %dma_wait3A_251, %dma_wait3A_252] : memref<2x128x128xf32, #tpu.memory_space<vmem>> -> memref<1x128x128xf32, #tpu.memory_space<vmem>>
      %dma_wait3A_254 = tpu.memref_squeeze %dma_wait3A_253 : memref<1x128x128xf32, #tpu.memory_space<vmem>> -> memref<128x128xf32, #tpu.memory_space<vmem>>
      tpu.wait_dma2 semaphore(%run_scoped3A_230 : memref<!tpu.dma_semaphore, #tpu.memory_space<semaphore_mem>>) src(%dma_wait3A_254 : memref<128x128xf32, #tpu.memory_space<vmem>>) dst(%dma_wait3A_250 : memref<128x128xf32, #tpu.memory_space<hbm>>)
      tpu.yield
    }) : () -> ()
    %dma_start3A_171 = arith.constant 0 : i32
    %dma_start3A_172 = arith.constant 0 : i32
    %dma_start3A_173 = arith.constant 0 : i32
    %dma_start3A_174 = tpu.memref_slice %arg6[%dma_start3A_171, %dma_start3A_172, %dma_start3A_173] : memref<2x128x128xf32, #tpu.memory_space<vmem>> -> memref<1x128x128xf32, #tpu.memory_space<vmem>>
    %dma_start3A_175 = tpu.memref_squeeze %dma_start3A_174 : memref<1x128x128xf32, #tpu.memory_space<vmem>> -> memref<128x128xf32, #tpu.memory_space<vmem>>
    %dma_start3A_176 = arith.constant 1024 : i32
    %dma_start3A_177 = tpu.memref_slice %arg5[%dma_start3A_176] : memref<1280xi32, #tpu.memory_space<vmem>> -> memref<128xi32, #tpu.memory_space<vmem>>
    %dma_start3A_178 = arith.constant 0 : i32
    %dma_start3A_179 = arith.constant 0 : i32
    %dma_start3A_180 = tpu.memref_slice %arg2[%dma_start3A_178, %dma_start3A_179] : memref<100000x128xf32, #tpu.memory_space<hbm>> -> memref<100000x128xf32, #tpu.memory_space<hbm>>
    tpu.enqueue_indirect_dma source(%dma_start3A_180 : memref<100000x128xf32, #tpu.memory_space<hbm>>) target(%dma_start3A_175 : memref<128x128xf32, #tpu.memory_space<vmem>>) offsets(%dma_start3A_177 : memref<128xi32, #tpu.memory_space<vmem>>) semaphore(%arg7 : memref<!tpu.dma_semaphore, #tpu.memory_space<semaphore_mem>>)
    %dma_wait3A_181 = arith.constant 1 : i32
    %dma_wait3A_182 = arith.constant 0 : i32
    %dma_wait3A_183 = arith.constant 0 : i32
    %dma_wait3A_184 = tpu.memref_slice %arg6[%dma_wait3A_181, %dma_wait3A_182, %dma_wait3A_183] : memref<2x128x128xf32, #tpu.memory_space<vmem>> -> memref<1x128x128xf32, #tpu.memory_space<vmem>>
    %dma_wait3A_185 = tpu.memref_squeeze %dma_wait3A_184 : memref<1x128x128xf32, #tpu.memory_space<vmem>> -> memref<128x128xf32, #tpu.memory_space<vmem>>
    %dma_wait3A_186 = arith.constant 896 : i32
    %dma_wait3A_187 = tpu.memref_slice %arg5[%dma_wait3A_186] : memref<1280xi32, #tpu.memory_space<vmem>> -> memref<128xi32, #tpu.memory_space<vmem>>
    %dma_wait3A_188 = arith.constant 0 : i32
    %dma_wait3A_189 = arith.constant 0 : i32
    %dma_wait3A_190 = tpu.memref_slice %arg2[%dma_wait3A_188, %dma_wait3A_189] : memref<100000x128xf32, #tpu.memory_space<hbm>> -> memref<100000x128xf32, #tpu.memory_space<hbm>>
    tpu.wait_indirect_dma semaphore(%arg8 : memref<!tpu.dma_semaphore, #tpu.memory_space<semaphore_mem>>) src(%dma_wait3A_190 : memref<100000x128xf32, #tpu.memory_space<hbm>>) dst(%dma_wait3A_185 : memref<128x128xf32, #tpu.memory_space<vmem>>)
    %add3A_191 = arith.constant 896 : i32
    %add3A_192 = arith.addi %mul3A_2, %add3A_191 : i32
    %run_scoped3A_193 = arith.constant 1 : i32
    "tpu.region"() ({
      %run_scoped3A_230 = tpu.sem_alloc : memref<!tpu.dma_semaphore, #tpu.memory_space<semaphore_mem>>
      %dma_start3A_231 = arith.constant 0 : i32
      %dma_start3A_232 = arith.constant 0 : i32
      %dma_start3A_233 = tpu.memref_slice %arg6[%run_scoped3A_193, %dma_start3A_231, %dma_start3A_232] : memref<2x128x128xf32, #tpu.memory_space<vmem>> -> memref<1x128x128xf32, #tpu.memory_space<vmem>>
      %dma_start3A_234 = tpu.memref_squeeze %dma_start3A_233 : memref<1x128x128xf32, #tpu.memory_space<vmem>> -> memref<128x128xf32, #tpu.memory_space<vmem>>
      %dma_start3A_235 = arith.constant 0 : i32
      %dma_start3A_236 = tpu.memref_slice %arg4[%add3A_192, %dma_start3A_235] : memref<40960x128xf32, #tpu.memory_space<hbm>> -> memref<128x128xf32, #tpu.memory_space<hbm>>
      %dma_start3A_237 = arith.constant 0 : i32
      %dma_start3A_238 = tpu.memref_slice %arg4[%add3A_192, %dma_start3A_237] : memref<40960x128xf32, #tpu.memory_space<hbm>> -> memref<128x128xf32, #tpu.memory_space<hbm>>
      %dma_start3A_239 = arith.constant 0 : i32
      %dma_start3A_240 = arith.constant 0 : i32
      %dma_start3A_241 = tpu.memref_slice %arg6[%run_scoped3A_193, %dma_start3A_239, %dma_start3A_240] : memref<2x128x128xf32, #tpu.memory_space<vmem>> -> memref<1x128x128xf32, #tpu.memory_space<vmem>>
      %dma_start3A_242 = tpu.memref_squeeze %dma_start3A_241 : memref<1x128x128xf32, #tpu.memory_space<vmem>> -> memref<128x128xf32, #tpu.memory_space<vmem>>
      tpu.enqueue_dma source(%dma_start3A_242 : memref<128x128xf32, #tpu.memory_space<vmem>>) target(%dma_start3A_238 : memref<128x128xf32, #tpu.memory_space<hbm>>) target_semaphore(%run_scoped3A_230 : memref<!tpu.dma_semaphore, #tpu.memory_space<semaphore_mem>>)
      %dma_wait3A_243 = arith.constant 0 : i32
      %dma_wait3A_244 = arith.constant 0 : i32
      %dma_wait3A_245 = tpu.memref_slice %arg6[%run_scoped3A_193, %dma_wait3A_243, %dma_wait3A_244] : memref<2x128x128xf32, #tpu.memory_space<vmem>> -> memref<1x128x128xf32, #tpu.memory_space<vmem>>
      %dma_wait3A_246 = tpu.memref_squeeze %dma_wait3A_245 : memref<1x128x128xf32, #tpu.memory_space<vmem>> -> memref<128x128xf32, #tpu.memory_space<vmem>>
      %dma_wait3A_247 = arith.constant 0 : i32
      %dma_wait3A_248 = tpu.memref_slice %arg4[%add3A_192, %dma_wait3A_247] : memref<40960x128xf32, #tpu.memory_space<hbm>> -> memref<128x128xf32, #tpu.memory_space<hbm>>
      %dma_wait3A_249 = arith.constant 0 : i32
      %dma_wait3A_250 = tpu.memref_slice %arg4[%add3A_192, %dma_wait3A_249] : memref<40960x128xf32, #tpu.memory_space<hbm>> -> memref<128x128xf32, #tpu.memory_space<hbm>>
      %dma_wait3A_251 = arith.constant 0 : i32
      %dma_wait3A_252 = arith.constant 0 : i32
      %dma_wait3A_253 = tpu.memref_slice %arg6[%run_scoped3A_193, %dma_wait3A_251, %dma_wait3A_252] : memref<2x128x128xf32, #tpu.memory_space<vmem>> -> memref<1x128x128xf32, #tpu.memory_space<vmem>>
      %dma_wait3A_254 = tpu.memref_squeeze %dma_wait3A_253 : memref<1x128x128xf32, #tpu.memory_space<vmem>> -> memref<128x128xf32, #tpu.memory_space<vmem>>
      tpu.wait_dma2 semaphore(%run_scoped3A_230 : memref<!tpu.dma_semaphore, #tpu.memory_space<semaphore_mem>>) src(%dma_wait3A_254 : memref<128x128xf32, #tpu.memory_space<vmem>>) dst(%dma_wait3A_250 : memref<128x128xf32, #tpu.memory_space<hbm>>)
      tpu.yield
    }) : () -> ()
    %dma_start3A_194 = arith.constant 1 : i32
    %dma_start3A_195 = arith.constant 0 : i32
    %dma_start3A_196 = arith.constant 0 : i32
    %dma_start3A_197 = tpu.memref_slice %arg6[%dma_start3A_194, %dma_start3A_195, %dma_start3A_196] : memref<2x128x128xf32, #tpu.memory_space<vmem>> -> memref<1x128x128xf32, #tpu.memory_space<vmem>>
    %dma_start3A_198 = tpu.memref_squeeze %dma_start3A_197 : memref<1x128x128xf32, #tpu.memory_space<vmem>> -> memref<128x128xf32, #tpu.memory_space<vmem>>
    %dma_start3A_199 = arith.constant 1152 : i32
    %dma_start3A_200 = tpu.memref_slice %arg5[%dma_start3A_199] : memref<1280xi32, #tpu.memory_space<vmem>> -> memref<128xi32, #tpu.memory_space<vmem>>
    %dma_start3A_201 = arith.constant 0 : i32
    %dma_start3A_202 = arith.constant 0 : i32
    %dma_start3A_203 = tpu.memref_slice %arg2[%dma_start3A_201, %dma_start3A_202] : memref<100000x128xf32, #tpu.memory_space<hbm>> -> memref<100000x128xf32, #tpu.memory_space<hbm>>
    tpu.enqueue_indirect_dma source(%dma_start3A_203 : memref<100000x128xf32, #tpu.memory_space<hbm>>) target(%dma_start3A_198 : memref<128x128xf32, #tpu.memory_space<vmem>>) offsets(%dma_start3A_200 : memref<128xi32, #tpu.memory_space<vmem>>) semaphore(%arg8 : memref<!tpu.dma_semaphore, #tpu.memory_space<semaphore_mem>>)
    %dma_wait3A_204 = arith.constant 0 : i32
    %dma_wait3A_205 = arith.constant 0 : i32
    %dma_wait3A_206 = arith.constant 0 : i32
    %dma_wait3A_207 = tpu.memref_slice %arg6[%dma_wait3A_204, %dma_wait3A_205, %dma_wait3A_206] : memref<2x128x128xf32, #tpu.memory_space<vmem>> -> memref<1x128x128xf32, #tpu.memory_space<vmem>>
    %dma_wait3A_208 = tpu.memref_squeeze %dma_wait3A_207 : memref<1x128x128xf32, #tpu.memory_space<vmem>> -> memref<128x128xf32, #tpu.memory_space<vmem>>
    %dma_wait3A_209 = arith.constant 1024 : i32
    %dma_wait3A_210 = tpu.memref_slice %arg5[%dma_wait3A_209] : memref<1280xi32, #tpu.memory_space<vmem>> -> memref<128xi32, #tpu.memory_space<vmem>>
    %dma_wait3A_211 = arith.constant 0 : i32
    %dma_wait3A_212 = arith.constant 0 : i32
    %dma_wait3A_213 = tpu.memref_slice %arg2[%dma_wait3A_211, %dma_wait3A_212] : memref<100000x128xf32, #tpu.memory_space<hbm>> -> memref<100000x128xf32, #tpu.memory_space<hbm>>
    tpu.wait_indirect_dma semaphore(%arg7 : memref<!tpu.dma_semaphore, #tpu.memory_space<semaphore_mem>>) src(%dma_wait3A_213 : memref<100000x128xf32, #tpu.memory_space<hbm>>) dst(%dma_wait3A_208 : memref<128x128xf32, #tpu.memory_space<vmem>>)
    %add3A_214 = arith.constant 1024 : i32
    %add3A_215 = arith.addi %mul3A_2, %add3A_214 : i32
    %run_scoped3A_216 = arith.constant 0 : i32
    "tpu.region"() ({
      %run_scoped3A_230 = tpu.sem_alloc : memref<!tpu.dma_semaphore, #tpu.memory_space<semaphore_mem>>
      %dma_start3A_231 = arith.constant 0 : i32
      %dma_start3A_232 = arith.constant 0 : i32
      %dma_start3A_233 = tpu.memref_slice %arg6[%run_scoped3A_216, %dma_start3A_231, %dma_start3A_232] : memref<2x128x128xf32, #tpu.memory_space<vmem>> -> memref<1x128x128xf32, #tpu.memory_space<vmem>>
      %dma_start3A_234 = tpu.memref_squeeze %dma_start3A_233 : memref<1x128x128xf32, #tpu.memory_space<vmem>> -> memref<128x128xf32, #tpu.memory_space<vmem>>
      %dma_start3A_235 = arith.constant 0 : i32
      %dma_start3A_236 = tpu.memref_slice %arg4[%add3A_215, %dma_start3A_235] : memref<40960x128xf32, #tpu.memory_space<hbm>> -> memref<128x128xf32, #tpu.memory_space<hbm>>
      %dma_start3A_237 = arith.constant 0 : i32
      %dma_start3A_238 = tpu.memref_slice %arg4[%add3A_215, %dma_start3A_237] : memref<40960x128xf32, #tpu.memory_space<hbm>> -> memref<128x128xf32, #tpu.memory_space<hbm>>
      %dma_start3A_239 = arith.constant 0 : i32
      %dma_start3A_240 = arith.constant 0 : i32
      %dma_start3A_241 = tpu.memref_slice %arg6[%run_scoped3A_216, %dma_start3A_239, %dma_start3A_240] : memref<2x128x128xf32, #tpu.memory_space<vmem>> -> memref<1x128x128xf32, #tpu.memory_space<vmem>>
      %dma_start3A_242 = tpu.memref_squeeze %dma_start3A_241 : memref<1x128x128xf32, #tpu.memory_space<vmem>> -> memref<128x128xf32, #tpu.memory_space<vmem>>
      tpu.enqueue_dma source(%dma_start3A_242 : memref<128x128xf32, #tpu.memory_space<vmem>>) target(%dma_start3A_238 : memref<128x128xf32, #tpu.memory_space<hbm>>) target_semaphore(%run_scoped3A_230 : memref<!tpu.dma_semaphore, #tpu.memory_space<semaphore_mem>>)
      %dma_wait3A_243 = arith.constant 0 : i32
      %dma_wait3A_244 = arith.constant 0 : i32
      %dma_wait3A_245 = tpu.memref_slice %arg6[%run_scoped3A_216, %dma_wait3A_243, %dma_wait3A_244] : memref<2x128x128xf32, #tpu.memory_space<vmem>> -> memref<1x128x128xf32, #tpu.memory_space<vmem>>
      %dma_wait3A_246 = tpu.memref_squeeze %dma_wait3A_245 : memref<1x128x128xf32, #tpu.memory_space<vmem>> -> memref<128x128xf32, #tpu.memory_space<vmem>>
      %dma_wait3A_247 = arith.constant 0 : i32
      %dma_wait3A_248 = tpu.memref_slice %arg4[%add3A_215, %dma_wait3A_247] : memref<40960x128xf32, #tpu.memory_space<hbm>> -> memref<128x128xf32, #tpu.memory_space<hbm>>
      %dma_wait3A_249 = arith.constant 0 : i32
      %dma_wait3A_250 = tpu.memref_slice %arg4[%add3A_215, %dma_wait3A_249] : memref<40960x128xf32, #tpu.memory_space<hbm>> -> memref<128x128xf32, #tpu.memory_space<hbm>>
      %dma_wait3A_251 = arith.constant 0 : i32
      %dma_wait3A_252 = arith.constant 0 : i32
      %dma_wait3A_253 = tpu.memref_slice %arg6[%run_scoped3A_216, %dma_wait3A_251, %dma_wait3A_252] : memref<2x128x128xf32, #tpu.memory_space<vmem>> -> memref<1x128x128xf32, #tpu.memory_space<vmem>>
      %dma_wait3A_254 = tpu.memref_squeeze %dma_wait3A_253 : memref<1x128x128xf32, #tpu.memory_space<vmem>> -> memref<128x128xf32, #tpu.memory_space<vmem>>
      tpu.wait_dma2 semaphore(%run_scoped3A_230 : memref<!tpu.dma_semaphore, #tpu.memory_space<semaphore_mem>>) src(%dma_wait3A_254 : memref<128x128xf32, #tpu.memory_space<vmem>>) dst(%dma_wait3A_250 : memref<128x128xf32, #tpu.memory_space<hbm>>)
      tpu.yield
    }) : () -> ()
    %dma_wait3A_217 = arith.constant 1 : i32
    %dma_wait3A_218 = arith.constant 0 : i32
    %dma_wait3A_219 = arith.constant 0 : i32
    %dma_wait3A_220 = tpu.memref_slice %arg6[%dma_wait3A_217, %dma_wait3A_218, %dma_wait3A_219] : memref<2x128x128xf32, #tpu.memory_space<vmem>> -> memref<1x128x128xf32, #tpu.memory_space<vmem>>
    %dma_wait3A_221 = tpu.memref_squeeze %dma_wait3A_220 : memref<1x128x128xf32, #tpu.memory_space<vmem>> -> memref<128x128xf32, #tpu.memory_space<vmem>>
    %dma_wait3A_222 = arith.constant 1152 : i32
    %dma_wait3A_223 = tpu.memref_slice %arg5[%dma_wait3A_222] : memref<1280xi32, #tpu.memory_space<vmem>> -> memref<128xi32, #tpu.memory_space<vmem>>
    %dma_wait3A_224 = arith.constant 0 : i32
    %dma_wait3A_225 = arith.constant 0 : i32
    %dma_wait3A_226 = tpu.memref_slice %arg2[%dma_wait3A_224, %dma_wait3A_225] : memref<100000x128xf32, #tpu.memory_space<hbm>> -> memref<100000x128xf32, #tpu.memory_space<hbm>>
    tpu.wait_indirect_dma semaphore(%arg8 : memref<!tpu.dma_semaphore, #tpu.memory_space<semaphore_mem>>) src(%dma_wait3A_226 : memref<100000x128xf32, #tpu.memory_space<hbm>>) dst(%dma_wait3A_221 : memref<128x128xf32, #tpu.memory_space<vmem>>)
    %add3A_227 = arith.constant 1152 : i32
    %add3A_228 = arith.addi %mul3A_2, %add3A_227 : i32
    %run_scoped3A_229 = arith.constant 1 : i32
    "tpu.region"() ({
      %run_scoped3A_230 = tpu.sem_alloc : memref<!tpu.dma_semaphore, #tpu.memory_space<semaphore_mem>>
      %dma_start3A_231 = arith.constant 0 : i32
      %dma_start3A_232 = arith.constant 0 : i32
      %dma_start3A_233 = tpu.memref_slice %arg6[%run_scoped3A_229, %dma_start3A_231, %dma_start3A_232] : memref<2x128x128xf32, #tpu.memory_space<vmem>> -> memref<1x128x128xf32, #tpu.memory_space<vmem>>
      %dma_start3A_234 = tpu.memref_squeeze %dma_start3A_233 : memref<1x128x128xf32, #tpu.memory_space<vmem>> -> memref<128x128xf32, #tpu.memory_space<vmem>>
      %dma_start3A_235 = arith.constant 0 : i32
      %dma_start3A_236 = tpu.memref_slice %arg4[%add3A_228, %dma_start3A_235] : memref<40960x128xf32, #tpu.memory_space<hbm>> -> memref<128x128xf32, #tpu.memory_space<hbm>>
      %dma_start3A_237 = arith.constant 0 : i32
      %dma_start3A_238 = tpu.memref_slice %arg4[%add3A_228, %dma_start3A_237] : memref<40960x128xf32, #tpu.memory_space<hbm>> -> memref<128x128xf32, #tpu.memory_space<hbm>>
      %dma_start3A_239 = arith.constant 0 : i32
      %dma_start3A_240 = arith.constant 0 : i32
      %dma_start3A_241 = tpu.memref_slice %arg6[%run_scoped3A_229, %dma_start3A_239, %dma_start3A_240] : memref<2x128x128xf32, #tpu.memory_space<vmem>> -> memref<1x128x128xf32, #tpu.memory_space<vmem>>
      %dma_start3A_242 = tpu.memref_squeeze %dma_start3A_241 : memref<1x128x128xf32, #tpu.memory_space<vmem>> -> memref<128x128xf32, #tpu.memory_space<vmem>>
      tpu.enqueue_dma source(%dma_start3A_242 : memref<128x128xf32, #tpu.memory_space<vmem>>) target(%dma_start3A_238 : memref<128x128xf32, #tpu.memory_space<hbm>>) target_semaphore(%run_scoped3A_230 : memref<!tpu.dma_semaphore, #tpu.memory_space<semaphore_mem>>)
      %dma_wait3A_243 = arith.constant 0 : i32
      %dma_wait3A_244 = arith.constant 0 : i32
      %dma_wait3A_245 = tpu.memref_slice %arg6[%run_scoped3A_229, %dma_wait3A_243, %dma_wait3A_244] : memref<2x128x128xf32, #tpu.memory_space<vmem>> -> memref<1x128x128xf32, #tpu.memory_space<vmem>>
      %dma_wait3A_246 = tpu.memref_squeeze %dma_wait3A_245 : memref<1x128x128xf32, #tpu.memory_space<vmem>> -> memref<128x128xf32, #tpu.memory_space<vmem>>
      %dma_wait3A_247 = arith.constant 0 : i32
      %dma_wait3A_248 = tpu.memref_slice %arg4[%add3A_228, %dma_wait3A_247] : memref<40960x128xf32, #tpu.memory_space<hbm>> -> memref<128x128xf32, #tpu.memory_space<hbm>>
      %dma_wait3A_249 = arith.constant 0 : i32
      %dma_wait3A_250 = tpu.memref_slice %arg4[%add3A_228, %dma_wait3A_249] : memref<40960x128xf32, #tpu.memory_space<hbm>> -> memref<128x128xf32, #tpu.memory_space<hbm>>
      %dma_wait3A_251 = arith.constant 0 : i32
      %dma_wait3A_252 = arith.constant 0 : i32
      %dma_wait3A_253 = tpu.memref_slice %arg6[%run_scoped3A_229, %dma_wait3A_251, %dma_wait3A_252] : memref<2x128x128xf32, #tpu.memory_space<vmem>> -> memref<1x128x128xf32, #tpu.memory_space<vmem>>
      %dma_wait3A_254 = tpu.memref_squeeze %dma_wait3A_253 : memref<1x128x128xf32, #tpu.memory_space<vmem>> -> memref<128x128xf32, #tpu.memory_space<vmem>>
      tpu.wait_dma2 semaphore(%run_scoped3A_230 : memref<!tpu.dma_semaphore, #tpu.memory_space<semaphore_mem>>) src(%dma_wait3A_254 : memref<128x128xf32, #tpu.memory_space<vmem>>) dst(%dma_wait3A_250 : memref<128x128xf32, #tpu.memory_space<hbm>>)
      tpu.yield
    }) : () -> ()
    return
  }
}

#map = affine_map<(d0, d1) -> (0, 0)>
#map1 = affine_map<(d0, d1) -> (0)>
module attributes {stable_mosaic.version = 14 : i64} {
  func.func @gather(%arg0: i32, %arg1: i32, %arg2: memref<100000x128xf32, #tpu.memory_space<hbm>>, %arg3: memref<40960xi32, #tpu.memory_space<hbm>>, %arg4: memref<40960x128xf32, #tpu.memory_space<hbm>>, %arg5: memref<1280xi32, #tpu.memory_space<vmem>>, %arg6: memref<2x128x128xf32, #tpu.memory_space<vmem>>, %arg7: memref<!tpu.dma_semaphore, #tpu.memory_space<semaphore_mem>>, %arg8: memref<!tpu.dma_semaphore, #tpu.memory_space<semaphore_mem>>) attributes {dimension_semantics = [#tpu.dimension_semantics<core_parallel>, #tpu.dimension_semantics<subcore_parallel>], iteration_bounds = array<i64: 2, 16>, scalar_prefetch = 0 : i64, scratch_operands = 4 : i64, tpu.core_type = #tpu.core_type<sc_vector_subcore>, window_params = [{transform_indices = #map}, {transform_indices = #map1}, {transform_indices = #map}]} {
    %mul3A = arith.constant 2 : i32
    %mul3A_0 = arith.muli %arg1, %mul3A : i32
    %add3A = arith.addi %mul3A_0, %arg0 : i32
    %mul3A_1 = arith.constant 1280 : i32
    %mul3A_2 = arith.muli %add3A, %mul3A_1 : i32
    "tpu.region"() ({
      %run_scoped3A_230 = tpu.sem_alloc : memref<!tpu.dma_semaphore, #tpu.memory_space<semaphore_mem>>
      %dma_start3A_231 = tpu.memref_slice %arg3[%mul3A_2] : memref<40960xi32, #tpu.memory_space<hbm>> -> memref<1280xi32, #tpu.memory_space<hbm>>
      %dma_start3A_232 = tpu.memref_slice %arg3[%mul3A_2] : memref<40960xi32, #tpu.memory_space<hbm>> -> memref<1280xi32, #tpu.memory_space<hbm>>
      tpu.enqueue_dma source(%dma_start3A_232 : memref<1280xi32, #tpu.memory_space<hbm>>) target(%arg5 : memref<1280xi32, #tpu.memory_space<vmem>>) target_semaphore(%run_scoped3A_230 : memref<!tpu.dma_semaphore, #tpu.memory_space<semaphore_mem>>)
      %dma_wait3A_233 = tpu.memref_slice %arg3[%mul3A_2] : memref<40960xi32, #tpu.memory_space<hbm>> -> memref<1280xi32, #tpu.memory_space<hbm>>
      %dma_wait3A_234 = tpu.memref_slice %arg3[%mul3A_2] : memref<40960xi32, #tpu.memory_space<hbm>> -> memref<1280xi32, #tpu.memory_space<hbm>>
      tpu.wait_dma2 semaphore(%run_scoped3A_230 : memref<!tpu.dma_semaphore, #tpu.memory_space<semaphore_mem>>) src(%dma_wait3A_234 : memref<1280xi32, #tpu.memory_space<hbm>>) dst(%arg5 : memref<1280xi32, #tpu.memory_space<vmem>>)
      tpu.yield
    }) : () -> ()
    %dma_start3A = arith.constant 0 : i32
    %dma_start3A_3 = arith.constant 0 : i32
    %dma_start3A_4 = arith.constant 0 : i32
    %dma_start3A_5 = tpu.memref_slice %arg6[%dma_start3A, %dma_start3A_3, %dma_start3A_4] : memref<2x128x128xf32, #tpu.memory_space<vmem>> -> memref<1x128x128xf32, #tpu.memory_space<vmem>>
    %dma_start3A_6 = tpu.memref_squeeze %dma_start3A_5 : memref<1x128x128xf32, #tpu.memory_space<vmem>> -> memref<128x128xf32, #tpu.memory_space<vmem>>
    %dma_start3A_7 = arith.constant 0 : i32
    %dma_start3A_8 = tpu.memref_slice %arg5[%dma_start3A_7] : memref<1280xi32, #tpu.memory_space<vmem>> -> memref<128xi32, #tpu.memory_space<vmem>>
    %dma_start3A_9 = arith.constant 0 : i32
    %dma_start3A_10 = arith.constant 0 : i32
    %dma_start3A_11 = tpu.memref_slice %arg2[%dma_start3A_9, %dma_start3A_10] : memref<100000x128xf32, #tpu.memory_space<hbm>> -> memref<100000x128xf32, #tpu.memory_space<hbm>>
    tpu.enqueue_indirect_dma source(%dma_start3A_11 : memref<100000x128xf32, #tpu.memory_space<hbm>>) target(%dma_start3A_6 : memref<128x128xf32, #tpu.memory_space<vmem>>) offsets(%dma_start3A_8 : memref<128xi32, #tpu.memory_space<vmem>>) semaphore(%arg7 : memref<!tpu.dma_semaphore, #tpu.memory_space<semaphore_mem>>)
    %dma_start3A_12 = arith.constant 1 : i32
    %dma_start3A_13 = arith.constant 0 : i32
    %dma_start3A_14 = arith.constant 0 : i32
    %dma_start3A_15 = tpu.memref_slice %arg6[%dma_start3A_12, %dma_start3A_13, %dma_start3A_14] : memref<2x128x128xf32, #tpu.memory_space<vmem>> -> memref<1x128x128xf32, #tpu.memory_space<vmem>>
    %dma_start3A_16 = tpu.memref_squeeze %dma_start3A_15 : memref<1x128x128xf32, #tpu.memory_space<vmem>> -> memref<128x128xf32, #tpu.memory_space<vmem>>
    %dma_start3A_17 = arith.constant 128 : i32
    %dma_start3A_18 = tpu.memref_slice %arg5[%dma_start3A_17] : memref<1280xi32, #tpu.memory_space<vmem>> -> memref<128xi32, #tpu.memory_space<vmem>>
    %dma_start3A_19 = arith.constant 0 : i32
    %dma_start3A_20 = arith.constant 0 : i32
    %dma_start3A_21 = tpu.memref_slice %arg2[%dma_start3A_19, %dma_start3A_20] : memref<100000x128xf32, #tpu.memory_space<hbm>> -> memref<100000x128xf32, #tpu.memory_space<hbm>>
    tpu.enqueue_indirect_dma source(%dma_start3A_21 : memref<100000x128xf32, #tpu.memory_space<hbm>>) target(%dma_start3A_16 : memref<128x128xf32, #tpu.memory_space<vmem>>) offsets(%dma_start3A_18 : memref<128xi32, #tpu.memory_space<vmem>>) semaphore(%arg8 : memref<!tpu.dma_semaphore, #tpu.memory_space<semaphore_mem>>)
    %dma_wait3A = arith.constant 0 : i32
    %dma_wait3A_22 = arith.constant 0 : i32
    %dma_wait3A_23 = arith.constant 0 : i32
    %dma_wait3A_24 = tpu.memref_slice %arg6[%dma_wait3A, %dma_wait3A_22, %dma_wait3A_23] : memref<2x128x128xf32, #tpu.memory_space<vmem>> -> memref<1x128x128xf32, #tpu.memory_space<vmem>>
    %dma_wait3A_25 = tpu.memref_squeeze %dma_wait3A_24 : memref<1x128x128xf32, #tpu.memory_space<vmem>> -> memref<128x128xf32, #tpu.memory_space<vmem>>
    %dma_wait3A_26 = arith.constant 0 : i32
    %dma_wait3A_27 = tpu.memref_slice %arg5[%dma_wait3A_26] : memref<1280xi32, #tpu.memory_space<vmem>> -> memref<128xi32, #tpu.memory_space<vmem>>
    %dma_wait3A_28 = arith.constant 0 : i32
    %dma_wait3A_29 = arith.constant 0 : i32
    %dma_wait3A_30 = tpu.memref_slice %arg2[%dma_wait3A_28, %dma_wait3A_29] : memref<100000x128xf32, #tpu.memory_space<hbm>> -> memref<100000x128xf32, #tpu.memory_space<hbm>>
    tpu.wait_indirect_dma semaphore(%arg7 : memref<!tpu.dma_semaphore, #tpu.memory_space<semaphore_mem>>) src(%dma_wait3A_30 : memref<100000x128xf32, #tpu.memory_space<hbm>>) dst(%dma_wait3A_25 : memref<128x128xf32, #tpu.memory_space<vmem>>)
    %add3A_31 = arith.constant 0 : i32
    %add3A_32 = arith.addi %mul3A_2, %add3A_31 : i32
    %run_scoped3A = arith.constant 0 : i32
    "tpu.region"() ({
      %run_scoped3A_230 = tpu.sem_alloc : memref<!tpu.dma_semaphore, #tpu.memory_space<semaphore_mem>>
      %dma_start3A_231 = arith.constant 0 : i32
      %dma_start3A_232 = arith.constant 0 : i32
      %dma_start3A_233 = tpu.memref_slice %arg6[%run_scoped3A, %dma_start3A_231, %dma_start3A_232] : memref<2x128x128xf32, #tpu.memory_space<vmem>> -> memref<1x128x128xf32, #tpu.memory_space<vmem>>
      %dma_start3A_234 = tpu.memref_squeeze %dma_start3A_233 : memref<1x128x128xf32, #tpu.memory_space<vmem>> -> memref<128x128xf32, #tpu.memory_space<vmem>>
      %dma_start3A_235 = arith.constant 0 : i32
      %dma_start3A_236 = tpu.memref_slice %arg4[%add3A_32, %dma_start3A_235] : memref<40960x128xf32, #tpu.memory_space<hbm>> -> memref<128x128xf32, #tpu.memory_space<hbm>>
      %dma_start3A_237 = arith.constant 0 : i32
      %dma_start3A_238 = tpu.memref_slice %arg4[%add3A_32, %dma_start3A_237] : memref<40960x128xf32, #tpu.memory_space<hbm>> -> memref<128x128xf32, #tpu.memory_space<hbm>>
      %dma_start3A_239 = arith.constant 0 : i32
      %dma_start3A_240 = arith.constant 0 : i32
      %dma_start3A_241 = tpu.memref_slice %arg6[%run_scoped3A, %dma_start3A_239, %dma_start3A_240] : memref<2x128x128xf32, #tpu.memory_space<vmem>> -> memref<1x128x128xf32, #tpu.memory_space<vmem>>
      %dma_start3A_242 = tpu.memref_squeeze %dma_start3A_241 : memref<1x128x128xf32, #tpu.memory_space<vmem>> -> memref<128x128xf32, #tpu.memory_space<vmem>>
      tpu.enqueue_dma source(%dma_start3A_242 : memref<128x128xf32, #tpu.memory_space<vmem>>) target(%dma_start3A_238 : memref<128x128xf32, #tpu.memory_space<hbm>>) target_semaphore(%run_scoped3A_230 : memref<!tpu.dma_semaphore, #tpu.memory_space<semaphore_mem>>)
      %dma_wait3A_243 = arith.constant 0 : i32
      %dma_wait3A_244 = arith.constant 0 : i32
      %dma_wait3A_245 = tpu.memref_slice %arg6[%run_scoped3A, %dma_wait3A_243, %dma_wait3A_244] : memref<2x128x128xf32, #tpu.memory_space<vmem>> -> memref<1x128x128xf32, #tpu.memory_space<vmem>>
      %dma_wait3A_246 = tpu.memref_squeeze %dma_wait3A_245 : memref<1x128x128xf32, #tpu.memory_space<vmem>> -> memref<128x128xf32, #tpu.memory_space<vmem>>
      %dma_wait3A_247 = arith.constant 0 : i32
      %dma_wait3A_248 = tpu.memref_slice %arg4[%add3A_32, %dma_wait3A_247] : memref<40960x128xf32, #tpu.memory_space<hbm>> -> memref<128x128xf32, #tpu.memory_space<hbm>>
      %dma_wait3A_249 = arith.constant 0 : i32
      %dma_wait3A_250 = tpu.memref_slice %arg4[%add3A_32, %dma_wait3A_249] : memref<40960x128xf32, #tpu.memory_space<hbm>> -> memref<128x128xf32, #tpu.memory_space<hbm>>
      %dma_wait3A_251 = arith.constant 0 : i32
      %dma_wait3A_252 = arith.constant 0 : i32
      %dma_wait3A_253 = tpu.memref_slice %arg6[%run_scoped3A, %dma_wait3A_251, %dma_wait3A_252] : memref<2x128x128xf32, #tpu.memory_space<vmem>> -> memref<1x128x128xf32, #tpu.memory_space<vmem>>
      %dma_wait3A_254 = tpu.memref_squeeze %dma_wait3A_253 : memref<1x128x128xf32, #tpu.memory_space<vmem>> -> memref<128x128xf32, #tpu.memory_space<vmem>>
      tpu.wait_dma2 semaphore(%run_scoped3A_230 : memref<!tpu.dma_semaphore, #tpu.memory_space<semaphore_mem>>) src(%dma_wait3A_254 : memref<128x128xf32, #tpu.memory_space<vmem>>) dst(%dma_wait3A_250 : memref<128x128xf32, #tpu.memory_space<hbm>>)
      tpu.yield
    }) : () -> ()
    %dma_start3A_33 = arith.constant 0 : i32
    %dma_start3A_34 = arith.constant 0 : i32
    %dma_start3A_35 = arith.constant 0 : i32
    %dma_start3A_36 = tpu.memref_slice %arg6[%dma_start3A_33, %dma_start3A_34, %dma_start3A_35] : memref<2x128x128xf32, #tpu.memory_space<vmem>> -> memref<1x128x128xf32, #tpu.memory_space<vmem>>
    %dma_start3A_37 = tpu.memref_squeeze %dma_start3A_36 : memref<1x128x128xf32, #tpu.memory_space<vmem>> -> memref<128x128xf32, #tpu.memory_space<vmem>>
    %dma_start3A_38 = arith.constant 256 : i32
    %dma_start3A_39 = tpu.memref_slice %arg5[%dma_start3A_38] : memref<1280xi32, #tpu.memory_space<vmem>> -> memref<128xi32, #tpu.memory_space<vmem>>
    %dma_start3A_40 = arith.constant 0 : i32
    %dma_start3A_41 = arith.constant 0 : i32
    %dma_start3A_42 = tpu.memref_slice %arg2[%dma_start3A_40, %dma_start3A_41] : memref<100000x128xf32, #tpu.memory_space<hbm>> -> memref<100000x128xf32, #tpu.memory_space<hbm>>
    tpu.enqueue_indirect_dma source(%dma_start3A_42 : memref<100000x128xf32, #tpu.memory_space<hbm>>) target(%dma_start3A_37 : memref<128x128xf32, #tpu.memory_space<vmem>>) offsets(%dma_start3A_39 : memref<128xi32, #tpu.memory_space<vmem>>) semaphore(%arg7 : memref<!tpu.dma_semaphore, #tpu.memory_space<semaphore_mem>>)
    %dma_wait3A_43 = arith.constant 1 : i32
    %dma_wait3A_44 = arith.constant 0 : i32
    %dma_wait3A_45 = arith.constant 0 : i32
    %dma_wait3A_46 = tpu.memref_slice %arg6[%dma_wait3A_43, %dma_wait3A_44, %dma_wait3A_45] : memref<2x128x128xf32, #tpu.memory_space<vmem>> -> memref<1x128x128xf32, #tpu.memory_space<vmem>>
    %dma_wait3A_47 = tpu.memref_squeeze %dma_wait3A_46 : memref<1x128x128xf32, #tpu.memory_space<vmem>> -> memref<128x128xf32, #tpu.memory_space<vmem>>
    %dma_wait3A_48 = arith.constant 128 : i32
    %dma_wait3A_49 = tpu.memref_slice %arg5[%dma_wait3A_48] : memref<1280xi32, #tpu.memory_space<vmem>> -> memref<128xi32, #tpu.memory_space<vmem>>
    %dma_wait3A_50 = arith.constant 0 : i32
    %dma_wait3A_51 = arith.constant 0 : i32
    %dma_wait3A_52 = tpu.memref_slice %arg2[%dma_wait3A_50, %dma_wait3A_51] : memref<100000x128xf32, #tpu.memory_space<hbm>> -> memref<100000x128xf32, #tpu.memory_space<hbm>>
    tpu.wait_indirect_dma semaphore(%arg8 : memref<!tpu.dma_semaphore, #tpu.memory_space<semaphore_mem>>) src(%dma_wait3A_52 : memref<100000x128xf32, #tpu.memory_space<hbm>>) dst(%dma_wait3A_47 : memref<128x128xf32, #tpu.memory_space<vmem>>)
    %add3A_53 = arith.constant 128 : i32
    %add3A_54 = arith.addi %mul3A_2, %add3A_53 : i32
    %run_scoped3A_55 = arith.constant 1 : i32
    "tpu.region"() ({
      %run_scoped3A_230 = tpu.sem_alloc : memref<!tpu.dma_semaphore, #tpu.memory_space<semaphore_mem>>
      %dma_start3A_231 = arith.constant 0 : i32
      %dma_start3A_232 = arith.constant 0 : i32
      %dma_start3A_233 = tpu.memref_slice %arg6[%run_scoped3A_55, %dma_start3A_231, %dma_start3A_232] : memref<2x128x128xf32, #tpu.memory_space<vmem>> -> memref<1x128x128xf32, #tpu.memory_space<vmem>>
      %dma_start3A_234 = tpu.memref_squeeze %dma_start3A_233 : memref<1x128x128xf32, #tpu.memory_space<vmem>> -> memref<128x128xf32, #tpu.memory_space<vmem>>
      %dma_start3A_235 = arith.constant 0 : i32
      %dma_start3A_236 = tpu.memref_slice %arg4[%add3A_54, %dma_start3A_235] : memref<40960x128xf32, #tpu.memory_space<hbm>> -> memref<128x128xf32, #tpu.memory_space<hbm>>
      %dma_start3A_237 = arith.constant 0 : i32
      %dma_start3A_238 = tpu.memref_slice %arg4[%add3A_54, %dma_start3A_237] : memref<40960x128xf32, #tpu.memory_space<hbm>> -> memref<128x128xf32, #tpu.memory_space<hbm>>
      %dma_start3A_239 = arith.constant 0 : i32
      %dma_start3A_240 = arith.constant 0 : i32
      %dma_start3A_241 = tpu.memref_slice %arg6[%run_scoped3A_55, %dma_start3A_239, %dma_start3A_240] : memref<2x128x128xf32, #tpu.memory_space<vmem>> -> memref<1x128x128xf32, #tpu.memory_space<vmem>>
      %dma_start3A_242 = tpu.memref_squeeze %dma_start3A_241 : memref<1x128x128xf32, #tpu.memory_space<vmem>> -> memref<128x128xf32, #tpu.memory_space<vmem>>
      tpu.enqueue_dma source(%dma_start3A_242 : memref<128x128xf32, #tpu.memory_space<vmem>>) target(%dma_start3A_238 : memref<128x128xf32, #tpu.memory_space<hbm>>) target_semaphore(%run_scoped3A_230 : memref<!tpu.dma_semaphore, #tpu.memory_space<semaphore_mem>>)
      %dma_wait3A_243 = arith.constant 0 : i32
      %dma_wait3A_244 = arith.constant 0 : i32
      %dma_wait3A_245 = tpu.memref_slice %arg6[%run_scoped3A_55, %dma_wait3A_243, %dma_wait3A_244] : memref<2x128x128xf32, #tpu.memory_space<vmem>> -> memref<1x128x128xf32, #tpu.memory_space<vmem>>
      %dma_wait3A_246 = tpu.memref_squeeze %dma_wait3A_245 : memref<1x128x128xf32, #tpu.memory_space<vmem>> -> memref<128x128xf32, #tpu.memory_space<vmem>>
      %dma_wait3A_247 = arith.constant 0 : i32
      %dma_wait3A_248 = tpu.memref_slice %arg4[%add3A_54, %dma_wait3A_247] : memref<40960x128xf32, #tpu.memory_space<hbm>> -> memref<128x128xf32, #tpu.memory_space<hbm>>
      %dma_wait3A_249 = arith.constant 0 : i32
      %dma_wait3A_250 = tpu.memref_slice %arg4[%add3A_54, %dma_wait3A_249] : memref<40960x128xf32, #tpu.memory_space<hbm>> -> memref<128x128xf32, #tpu.memory_space<hbm>>
      %dma_wait3A_251 = arith.constant 0 : i32
      %dma_wait3A_252 = arith.constant 0 : i32
      %dma_wait3A_253 = tpu.memref_slice %arg6[%run_scoped3A_55, %dma_wait3A_251, %dma_wait3A_252] : memref<2x128x128xf32, #tpu.memory_space<vmem>> -> memref<1x128x128xf32, #tpu.memory_space<vmem>>
      %dma_wait3A_254 = tpu.memref_squeeze %dma_wait3A_253 : memref<1x128x128xf32, #tpu.memory_space<vmem>> -> memref<128x128xf32, #tpu.memory_space<vmem>>
      tpu.wait_dma2 semaphore(%run_scoped3A_230 : memref<!tpu.dma_semaphore, #tpu.memory_space<semaphore_mem>>) src(%dma_wait3A_254 : memref<128x128xf32, #tpu.memory_space<vmem>>) dst(%dma_wait3A_250 : memref<128x128xf32, #tpu.memory_space<hbm>>)
      tpu.yield
    }) : () -> ()
    %dma_start3A_56 = arith.constant 1 : i32
    %dma_start3A_57 = arith.constant 0 : i32
    %dma_start3A_58 = arith.constant 0 : i32
    %dma_start3A_59 = tpu.memref_slice %arg6[%dma_start3A_56, %dma_start3A_57, %dma_start3A_58] : memref<2x128x128xf32, #tpu.memory_space<vmem>> -> memref<1x128x128xf32, #tpu.memory_space<vmem>>
    %dma_start3A_60 = tpu.memref_squeeze %dma_start3A_59 : memref<1x128x128xf32, #tpu.memory_space<vmem>> -> memref<128x128xf32, #tpu.memory_space<vmem>>
    %dma_start3A_61 = arith.constant 384 : i32
    %dma_start3A_62 = tpu.memref_slice %arg5[%dma_start3A_61] : memref<1280xi32, #tpu.memory_space<vmem>> -> memref<128xi32, #tpu.memory_space<vmem>>
    %dma_start3A_63 = arith.constant 0 : i32
    %dma_start3A_64 = arith.constant 0 : i32
    %dma_start3A_65 = tpu.memref_slice %arg2[%dma_start3A_63, %dma_start3A_64] : memref<100000x128xf32, #tpu.memory_space<hbm>> -> memref<100000x128xf32, #tpu.memory_space<hbm>>
    tpu.enqueue_indirect_dma source(%dma_start3A_65 : memref<100000x128xf32, #tpu.memory_space<hbm>>) target(%dma_start3A_60 : memref<128x128xf32, #tpu.memory_space<vmem>>) offsets(%dma_start3A_62 : memref<128xi32, #tpu.memory_space<vmem>>) semaphore(%arg8 : memref<!tpu.dma_semaphore, #tpu.memory_space<semaphore_mem>>)
    %dma_wait3A_66 = arith.constant 0 : i32
    %dma_wait3A_67 = arith.constant 0 : i32
    %dma_wait3A_68 = arith.constant 0 : i32
    %dma_wait3A_69 = tpu.memref_slice %arg6[%dma_wait3A_66, %dma_wait3A_67, %dma_wait3A_68] : memref<2x128x128xf32, #tpu.memory_space<vmem>> -> memref<1x128x128xf32, #tpu.memory_space<vmem>>
    %dma_wait3A_70 = tpu.memref_squeeze %dma_wait3A_69 : memref<1x128x128xf32, #tpu.memory_space<vmem>> -> memref<128x128xf32, #tpu.memory_space<vmem>>
    %dma_wait3A_71 = arith.constant 256 : i32
    %dma_wait3A_72 = tpu.memref_slice %arg5[%dma_wait3A_71] : memref<1280xi32, #tpu.memory_space<vmem>> -> memref<128xi32, #tpu.memory_space<vmem>>
    %dma_wait3A_73 = arith.constant 0 : i32
    %dma_wait3A_74 = arith.constant 0 : i32
    %dma_wait3A_75 = tpu.memref_slice %arg2[%dma_wait3A_73, %dma_wait3A_74] : memref<100000x128xf32, #tpu.memory_space<hbm>> -> memref<100000x128xf32, #tpu.memory_space<hbm>>
    tpu.wait_indirect_dma semaphore(%arg7 : memref<!tpu.dma_semaphore, #tpu.memory_space<semaphore_mem>>) src(%dma_wait3A_75 : memref<100000x128xf32, #tpu.memory_space<hbm>>) dst(%dma_wait3A_70 : memref<128x128xf32, #tpu.memory_space<vmem>>)
    %add3A_76 = arith.constant 256 : i32
    %add3A_77 = arith.addi %mul3A_2, %add3A_76 : i32
    %run_scoped3A_78 = arith.constant 0 : i32
    "tpu.region"() ({
      %run_scoped3A_230 = tpu.sem_alloc : memref<!tpu.dma_semaphore, #tpu.memory_space<semaphore_mem>>
      %dma_start3A_231 = arith.constant 0 : i32
      %dma_start3A_232 = arith.constant 0 : i32
      %dma_start3A_233 = tpu.memref_slice %arg6[%run_scoped3A_78, %dma_start3A_231, %dma_start3A_232] : memref<2x128x128xf32, #tpu.memory_space<vmem>> -> memref<1x128x128xf32, #tpu.memory_space<vmem>>
      %dma_start3A_234 = tpu.memref_squeeze %dma_start3A_233 : memref<1x128x128xf32, #tpu.memory_space<vmem>> -> memref<128x128xf32, #tpu.memory_space<vmem>>
      %dma_start3A_235 = arith.constant 0 : i32
      %dma_start3A_236 = tpu.memref_slice %arg4[%add3A_77, %dma_start3A_235] : memref<40960x128xf32, #tpu.memory_space<hbm>> -> memref<128x128xf32, #tpu.memory_space<hbm>>
      %dma_start3A_237 = arith.constant 0 : i32
      %dma_start3A_238 = tpu.memref_slice %arg4[%add3A_77, %dma_start3A_237] : memref<40960x128xf32, #tpu.memory_space<hbm>> -> memref<128x128xf32, #tpu.memory_space<hbm>>
      %dma_start3A_239 = arith.constant 0 : i32
      %dma_start3A_240 = arith.constant 0 : i32
      %dma_start3A_241 = tpu.memref_slice %arg6[%run_scoped3A_78, %dma_start3A_239, %dma_start3A_240] : memref<2x128x128xf32, #tpu.memory_space<vmem>> -> memref<1x128x128xf32, #tpu.memory_space<vmem>>
      %dma_start3A_242 = tpu.memref_squeeze %dma_start3A_241 : memref<1x128x128xf32, #tpu.memory_space<vmem>> -> memref<128x128xf32, #tpu.memory_space<vmem>>
      tpu.enqueue_dma source(%dma_start3A_242 : memref<128x128xf32, #tpu.memory_space<vmem>>) target(%dma_start3A_238 : memref<128x128xf32, #tpu.memory_space<hbm>>) target_semaphore(%run_scoped3A_230 : memref<!tpu.dma_semaphore, #tpu.memory_space<semaphore_mem>>)
      %dma_wait3A_243 = arith.constant 0 : i32
      %dma_wait3A_244 = arith.constant 0 : i32
      %dma_wait3A_245 = tpu.memref_slice %arg6[%run_scoped3A_78, %dma_wait3A_243, %dma_wait3A_244] : memref<2x128x128xf32, #tpu.memory_space<vmem>> -> memref<1x128x128xf32, #tpu.memory_space<vmem>>
      %dma_wait3A_246 = tpu.memref_squeeze %dma_wait3A_245 : memref<1x128x128xf32, #tpu.memory_space<vmem>> -> memref<128x128xf32, #tpu.memory_space<vmem>>
      %dma_wait3A_247 = arith.constant 0 : i32
      %dma_wait3A_248 = tpu.memref_slice %arg4[%add3A_77, %dma_wait3A_247] : memref<40960x128xf32, #tpu.memory_space<hbm>> -> memref<128x128xf32, #tpu.memory_space<hbm>>
      %dma_wait3A_249 = arith.constant 0 : i32
      %dma_wait3A_250 = tpu.memref_slice %arg4[%add3A_77, %dma_wait3A_249] : memref<40960x128xf32, #tpu.memory_space<hbm>> -> memref<128x128xf32, #tpu.memory_space<hbm>>
      %dma_wait3A_251 = arith.constant 0 : i32
      %dma_wait3A_252 = arith.constant 0 : i32
      %dma_wait3A_253 = tpu.memref_slice %arg6[%run_scoped3A_78, %dma_wait3A_251, %dma_wait3A_252] : memref<2x128x128xf32, #tpu.memory_space<vmem>> -> memref<1x128x128xf32, #tpu.memory_space<vmem>>
      %dma_wait3A_254 = tpu.memref_squeeze %dma_wait3A_253 : memref<1x128x128xf32, #tpu.memory_space<vmem>> -> memref<128x128xf32, #tpu.memory_space<vmem>>
      tpu.wait_dma2 semaphore(%run_scoped3A_230 : memref<!tpu.dma_semaphore, #tpu.memory_space<semaphore_mem>>) src(%dma_wait3A_254 : memref<128x128xf32, #tpu.memory_space<vmem>>) dst(%dma_wait3A_250 : memref<128x128xf32, #tpu.memory_space<hbm>>)
      tpu.yield
    }) : () -> ()
    %dma_start3A_79 = arith.constant 0 : i32
    %dma_start3A_80 = arith.constant 0 : i32
    %dma_start3A_81 = arith.constant 0 : i32
    %dma_start3A_82 = tpu.memref_slice %arg6[%dma_start3A_79, %dma_start3A_80, %dma_start3A_81] : memref<2x128x128xf32, #tpu.memory_space<vmem>> -> memref<1x128x128xf32, #tpu.memory_space<vmem>>
    %dma_start3A_83 = tpu.memref_squeeze %dma_start3A_82 : memref<1x128x128xf32, #tpu.memory_space<vmem>> -> memref<128x128xf32, #tpu.memory_space<vmem>>
    %dma_start3A_84 = arith.constant 512 : i32
    %dma_start3A_85 = tpu.memref_slice %arg5[%dma_start3A_84] : memref<1280xi32, #tpu.memory_space<vmem>> -> memref<128xi32, #tpu.memory_space<vmem>>
    %dma_start3A_86 = arith.constant 0 : i32
    %dma_start3A_87 = arith.constant 0 : i32
    %dma_start3A_88 = tpu.memref_slice %arg2[%dma_start3A_86, %dma_start3A_87] : memref<100000x128xf32, #tpu.memory_space<hbm>> -> memref<100000x128xf32, #tpu.memory_space<hbm>>
    tpu.enqueue_indirect_dma source(%dma_start3A_88 : memref<100000x128xf32, #tpu.memory_space<hbm>>) target(%dma_start3A_83 : memref<128x128xf32, #tpu.memory_space<vmem>>) offsets(%dma_start3A_85 : memref<128xi32, #tpu.memory_space<vmem>>) semaphore(%arg7 : memref<!tpu.dma_semaphore, #tpu.memory_space<semaphore_mem>>)
    %dma_wait3A_89 = arith.constant 1 : i32
    %dma_wait3A_90 = arith.constant 0 : i32
    %dma_wait3A_91 = arith.constant 0 : i32
    %dma_wait3A_92 = tpu.memref_slice %arg6[%dma_wait3A_89, %dma_wait3A_90, %dma_wait3A_91] : memref<2x128x128xf32, #tpu.memory_space<vmem>> -> memref<1x128x128xf32, #tpu.memory_space<vmem>>
    %dma_wait3A_93 = tpu.memref_squeeze %dma_wait3A_92 : memref<1x128x128xf32, #tpu.memory_space<vmem>> -> memref<128x128xf32, #tpu.memory_space<vmem>>
    %dma_wait3A_94 = arith.constant 384 : i32
    %dma_wait3A_95 = tpu.memref_slice %arg5[%dma_wait3A_94] : memref<1280xi32, #tpu.memory_space<vmem>> -> memref<128xi32, #tpu.memory_space<vmem>>
    %dma_wait3A_96 = arith.constant 0 : i32
    %dma_wait3A_97 = arith.constant 0 : i32
    %dma_wait3A_98 = tpu.memref_slice %arg2[%dma_wait3A_96, %dma_wait3A_97] : memref<100000x128xf32, #tpu.memory_space<hbm>> -> memref<100000x128xf32, #tpu.memory_space<hbm>>
    tpu.wait_indirect_dma semaphore(%arg8 : memref<!tpu.dma_semaphore, #tpu.memory_space<semaphore_mem>>) src(%dma_wait3A_98 : memref<100000x128xf32, #tpu.memory_space<hbm>>) dst(%dma_wait3A_93 : memref<128x128xf32, #tpu.memory_space<vmem>>)
    %add3A_99 = arith.constant 384 : i32
    %add3A_100 = arith.addi %mul3A_2, %add3A_99 : i32
    %run_scoped3A_101 = arith.constant 1 : i32
    "tpu.region"() ({
      %run_scoped3A_230 = tpu.sem_alloc : memref<!tpu.dma_semaphore, #tpu.memory_space<semaphore_mem>>
      %dma_start3A_231 = arith.constant 0 : i32
      %dma_start3A_232 = arith.constant 0 : i32
      %dma_start3A_233 = tpu.memref_slice %arg6[%run_scoped3A_101, %dma_start3A_231, %dma_start3A_232] : memref<2x128x128xf32, #tpu.memory_space<vmem>> -> memref<1x128x128xf32, #tpu.memory_space<vmem>>
      %dma_start3A_234 = tpu.memref_squeeze %dma_start3A_233 : memref<1x128x128xf32, #tpu.memory_space<vmem>> -> memref<128x128xf32, #tpu.memory_space<vmem>>
      %dma_start3A_235 = arith.constant 0 : i32
      %dma_start3A_236 = tpu.memref_slice %arg4[%add3A_100, %dma_start3A_235] : memref<40960x128xf32, #tpu.memory_space<hbm>> -> memref<128x128xf32, #tpu.memory_space<hbm>>
      %dma_start3A_237 = arith.constant 0 : i32
      %dma_start3A_238 = tpu.memref_slice %arg4[%add3A_100, %dma_start3A_237] : memref<40960x128xf32, #tpu.memory_space<hbm>> -> memref<128x128xf32, #tpu.memory_space<hbm>>
      %dma_start3A_239 = arith.constant 0 : i32
      %dma_start3A_240 = arith.constant 0 : i32
      %dma_start3A_241 = tpu.memref_slice %arg6[%run_scoped3A_101, %dma_start3A_239, %dma_start3A_240] : memref<2x128x128xf32, #tpu.memory_space<vmem>> -> memref<1x128x128xf32, #tpu.memory_space<vmem>>
      %dma_start3A_242 = tpu.memref_squeeze %dma_start3A_241 : memref<1x128x128xf32, #tpu.memory_space<vmem>> -> memref<128x128xf32, #tpu.memory_space<vmem>>
      tpu.enqueue_dma source(%dma_start3A_242 : memref<128x128xf32, #tpu.memory_space<vmem>>) target(%dma_start3A_238 : memref<128x128xf32, #tpu.memory_space<hbm>>) target_semaphore(%run_scoped3A_230 : memref<!tpu.dma_semaphore, #tpu.memory_space<semaphore_mem>>)
      %dma_wait3A_243 = arith.constant 0 : i32
      %dma_wait3A_244 = arith.constant 0 : i32
      %dma_wait3A_245 = tpu.memref_slice %arg6[%run_scoped3A_101, %dma_wait3A_243, %dma_wait3A_244] : memref<2x128x128xf32, #tpu.memory_space<vmem>> -> memref<1x128x128xf32, #tpu.memory_space<vmem>>
      %dma_wait3A_246 = tpu.memref_squeeze %dma_wait3A_245 : memref<1x128x128xf32, #tpu.memory_space<vmem>> -> memref<128x128xf32, #tpu.memory_space<vmem>>
      %dma_wait3A_247 = arith.constant 0 : i32
      %dma_wait3A_248 = tpu.memref_slice %arg4[%add3A_100, %dma_wait3A_247] : memref<40960x128xf32, #tpu.memory_space<hbm>> -> memref<128x128xf32, #tpu.memory_space<hbm>>
      %dma_wait3A_249 = arith.constant 0 : i32
      %dma_wait3A_250 = tpu.memref_slice %arg4[%add3A_100, %dma_wait3A_249] : memref<40960x128xf32, #tpu.memory_space<hbm>> -> memref<128x128xf32, #tpu.memory_space<hbm>>
      %dma_wait3A_251 = arith.constant 0 : i32
      %dma_wait3A_252 = arith.constant 0 : i32
      %dma_wait3A_253 = tpu.memref_slice %arg6[%run_scoped3A_101, %dma_wait3A_251, %dma_wait3A_252] : memref<2x128x128xf32, #tpu.memory_space<vmem>> -> memref<1x128x128xf32, #tpu.memory_space<vmem>>
      %dma_wait3A_254 = tpu.memref_squeeze %dma_wait3A_253 : memref<1x128x128xf32, #tpu.memory_space<vmem>> -> memref<128x128xf32, #tpu.memory_space<vmem>>
      tpu.wait_dma2 semaphore(%run_scoped3A_230 : memref<!tpu.dma_semaphore, #tpu.memory_space<semaphore_mem>>) src(%dma_wait3A_254 : memref<128x128xf32, #tpu.memory_space<vmem>>) dst(%dma_wait3A_250 : memref<128x128xf32, #tpu.memory_space<hbm>>)
      tpu.yield
    }) : () -> ()
    %dma_start3A_102 = arith.constant 1 : i32
    %dma_start3A_103 = arith.constant 0 : i32
    %dma_start3A_104 = arith.constant 0 : i32
    %dma_start3A_105 = tpu.memref_slice %arg6[%dma_start3A_102, %dma_start3A_103, %dma_start3A_104] : memref<2x128x128xf32, #tpu.memory_space<vmem>> -> memref<1x128x128xf32, #tpu.memory_space<vmem>>
    %dma_start3A_106 = tpu.memref_squeeze %dma_start3A_105 : memref<1x128x128xf32, #tpu.memory_space<vmem>> -> memref<128x128xf32, #tpu.memory_space<vmem>>
    %dma_start3A_107 = arith.constant 640 : i32
    %dma_start3A_108 = tpu.memref_slice %arg5[%dma_start3A_107] : memref<1280xi32, #tpu.memory_space<vmem>> -> memref<128xi32, #tpu.memory_space<vmem>>
    %dma_start3A_109 = arith.constant 0 : i32
    %dma_start3A_110 = arith.constant 0 : i32
    %dma_start3A_111 = tpu.memref_slice %arg2[%dma_start3A_109, %dma_start3A_110] : memref<100000x128xf32, #tpu.memory_space<hbm>> -> memref<100000x128xf32, #tpu.memory_space<hbm>>
    tpu.enqueue_indirect_dma source(%dma_start3A_111 : memref<100000x128xf32, #tpu.memory_space<hbm>>) target(%dma_start3A_106 : memref<128x128xf32, #tpu.memory_space<vmem>>) offsets(%dma_start3A_108 : memref<128xi32, #tpu.memory_space<vmem>>) semaphore(%arg8 : memref<!tpu.dma_semaphore, #tpu.memory_space<semaphore_mem>>)
    %dma_wait3A_112 = arith.constant 0 : i32
    %dma_wait3A_113 = arith.constant 0 : i32
    %dma_wait3A_114 = arith.constant 0 : i32
    %dma_wait3A_115 = tpu.memref_slice %arg6[%dma_wait3A_112, %dma_wait3A_113, %dma_wait3A_114] : memref<2x128x128xf32, #tpu.memory_space<vmem>> -> memref<1x128x128xf32, #tpu.memory_space<vmem>>
    %dma_wait3A_116 = tpu.memref_squeeze %dma_wait3A_115 : memref<1x128x128xf32, #tpu.memory_space<vmem>> -> memref<128x128xf32, #tpu.memory_space<vmem>>
    %dma_wait3A_117 = arith.constant 512 : i32
    %dma_wait3A_118 = tpu.memref_slice %arg5[%dma_wait3A_117] : memref<1280xi32, #tpu.memory_space<vmem>> -> memref<128xi32, #tpu.memory_space<vmem>>
    %dma_wait3A_119 = arith.constant 0 : i32
    %dma_wait3A_120 = arith.constant 0 : i32
    %dma_wait3A_121 = tpu.memref_slice %arg2[%dma_wait3A_119, %dma_wait3A_120] : memref<100000x128xf32, #tpu.memory_space<hbm>> -> memref<100000x128xf32, #tpu.memory_space<hbm>>
    tpu.wait_indirect_dma semaphore(%arg7 : memref<!tpu.dma_semaphore, #tpu.memory_space<semaphore_mem>>) src(%dma_wait3A_121 : memref<100000x128xf32, #tpu.memory_space<hbm>>) dst(%dma_wait3A_116 : memref<128x128xf32, #tpu.memory_space<vmem>>)
    %add3A_122 = arith.constant 512 : i32
    %add3A_123 = arith.addi %mul3A_2, %add3A_122 : i32
    %run_scoped3A_124 = arith.constant 0 : i32
    "tpu.region"() ({
      %run_scoped3A_230 = tpu.sem_alloc : memref<!tpu.dma_semaphore, #tpu.memory_space<semaphore_mem>>
      %dma_start3A_231 = arith.constant 0 : i32
      %dma_start3A_232 = arith.constant 0 : i32
      %dma_start3A_233 = tpu.memref_slice %arg6[%run_scoped3A_124, %dma_start3A_231, %dma_start3A_232] : memref<2x128x128xf32, #tpu.memory_space<vmem>> -> memref<1x128x128xf32, #tpu.memory_space<vmem>>
      %dma_start3A_234 = tpu.memref_squeeze %dma_start3A_233 : memref<1x128x128xf32, #tpu.memory_space<vmem>> -> memref<128x128xf32, #tpu.memory_space<vmem>>
      %dma_start3A_235 = arith.constant 0 : i32
      %dma_start3A_236 = tpu.memref_slice %arg4[%add3A_123, %dma_start3A_235] : memref<40960x128xf32, #tpu.memory_space<hbm>> -> memref<128x128xf32, #tpu.memory_space<hbm>>
      %dma_start3A_237 = arith.constant 0 : i32
      %dma_start3A_238 = tpu.memref_slice %arg4[%add3A_123, %dma_start3A_237] : memref<40960x128xf32, #tpu.memory_space<hbm>> -> memref<128x128xf32, #tpu.memory_space<hbm>>
      %dma_start3A_239 = arith.constant 0 : i32
      %dma_start3A_240 = arith.constant 0 : i32
      %dma_start3A_241 = tpu.memref_slice %arg6[%run_scoped3A_124, %dma_start3A_239, %dma_start3A_240] : memref<2x128x128xf32, #tpu.memory_space<vmem>> -> memref<1x128x128xf32, #tpu.memory_space<vmem>>
      %dma_start3A_242 = tpu.memref_squeeze %dma_start3A_241 : memref<1x128x128xf32, #tpu.memory_space<vmem>> -> memref<128x128xf32, #tpu.memory_space<vmem>>
      tpu.enqueue_dma source(%dma_start3A_242 : memref<128x128xf32, #tpu.memory_space<vmem>>) target(%dma_start3A_238 : memref<128x128xf32, #tpu.memory_space<hbm>>) target_semaphore(%run_scoped3A_230 : memref<!tpu.dma_semaphore, #tpu.memory_space<semaphore_mem>>)
      %dma_wait3A_243 = arith.constant 0 : i32
      %dma_wait3A_244 = arith.constant 0 : i32
      %dma_wait3A_245 = tpu.memref_slice %arg6[%run_scoped3A_124, %dma_wait3A_243, %dma_wait3A_244] : memref<2x128x128xf32, #tpu.memory_space<vmem>> -> memref<1x128x128xf32, #tpu.memory_space<vmem>>
      %dma_wait3A_246 = tpu.memref_squeeze %dma_wait3A_245 : memref<1x128x128xf32, #tpu.memory_space<vmem>> -> memref<128x128xf32, #tpu.memory_space<vmem>>
      %dma_wait3A_247 = arith.constant 0 : i32
      %dma_wait3A_248 = tpu.memref_slice %arg4[%add3A_123, %dma_wait3A_247] : memref<40960x128xf32, #tpu.memory_space<hbm>> -> memref<128x128xf32, #tpu.memory_space<hbm>>
      %dma_wait3A_249 = arith.constant 0 : i32
      %dma_wait3A_250 = tpu.memref_slice %arg4[%add3A_123, %dma_wait3A_249] : memref<40960x128xf32, #tpu.memory_space<hbm>> -> memref<128x128xf32, #tpu.memory_space<hbm>>
      %dma_wait3A_251 = arith.constant 0 : i32
      %dma_wait3A_252 = arith.constant 0 : i32
      %dma_wait3A_253 = tpu.memref_slice %arg6[%run_scoped3A_124, %dma_wait3A_251, %dma_wait3A_252] : memref<2x128x128xf32, #tpu.memory_space<vmem>> -> memref<1x128x128xf32, #tpu.memory_space<vmem>>
      %dma_wait3A_254 = tpu.memref_squeeze %dma_wait3A_253 : memref<1x128x128xf32, #tpu.memory_space<vmem>> -> memref<128x128xf32, #tpu.memory_space<vmem>>
      tpu.wait_dma2 semaphore(%run_scoped3A_230 : memref<!tpu.dma_semaphore, #tpu.memory_space<semaphore_mem>>) src(%dma_wait3A_254 : memref<128x128xf32, #tpu.memory_space<vmem>>) dst(%dma_wait3A_250 : memref<128x128xf32, #tpu.memory_space<hbm>>)
      tpu.yield
    }) : () -> ()
    %dma_start3A_125 = arith.constant 0 : i32
    %dma_start3A_126 = arith.constant 0 : i32
    %dma_start3A_127 = arith.constant 0 : i32
    %dma_start3A_128 = tpu.memref_slice %arg6[%dma_start3A_125, %dma_start3A_126, %dma_start3A_127] : memref<2x128x128xf32, #tpu.memory_space<vmem>> -> memref<1x128x128xf32, #tpu.memory_space<vmem>>
    %dma_start3A_129 = tpu.memref_squeeze %dma_start3A_128 : memref<1x128x128xf32, #tpu.memory_space<vmem>> -> memref<128x128xf32, #tpu.memory_space<vmem>>
    %dma_start3A_130 = arith.constant 768 : i32
    %dma_start3A_131 = tpu.memref_slice %arg5[%dma_start3A_130] : memref<1280xi32, #tpu.memory_space<vmem>> -> memref<128xi32, #tpu.memory_space<vmem>>
    %dma_start3A_132 = arith.constant 0 : i32
    %dma_start3A_133 = arith.constant 0 : i32
    %dma_start3A_134 = tpu.memref_slice %arg2[%dma_start3A_132, %dma_start3A_133] : memref<100000x128xf32, #tpu.memory_space<hbm>> -> memref<100000x128xf32, #tpu.memory_space<hbm>>
    tpu.enqueue_indirect_dma source(%dma_start3A_134 : memref<100000x128xf32, #tpu.memory_space<hbm>>) target(%dma_start3A_129 : memref<128x128xf32, #tpu.memory_space<vmem>>) offsets(%dma_start3A_131 : memref<128xi32, #tpu.memory_space<vmem>>) semaphore(%arg7 : memref<!tpu.dma_semaphore, #tpu.memory_space<semaphore_mem>>)
    %dma_wait3A_135 = arith.constant 1 : i32
    %dma_wait3A_136 = arith.constant 0 : i32
    %dma_wait3A_137 = arith.constant 0 : i32
    %dma_wait3A_138 = tpu.memref_slice %arg6[%dma_wait3A_135, %dma_wait3A_136, %dma_wait3A_137] : memref<2x128x128xf32, #tpu.memory_space<vmem>> -> memref<1x128x128xf32, #tpu.memory_space<vmem>>
    %dma_wait3A_139 = tpu.memref_squeeze %dma_wait3A_138 : memref<1x128x128xf32, #tpu.memory_space<vmem>> -> memref<128x128xf32, #tpu.memory_space<vmem>>
    %dma_wait3A_140 = arith.constant 640 : i32
    %dma_wait3A_141 = tpu.memref_slice %arg5[%dma_wait3A_140] : memref<1280xi32, #tpu.memory_space<vmem>> -> memref<128xi32, #tpu.memory_space<vmem>>
    %dma_wait3A_142 = arith.constant 0 : i32
    %dma_wait3A_143 = arith.constant 0 : i32
    %dma_wait3A_144 = tpu.memref_slice %arg2[%dma_wait3A_142, %dma_wait3A_143] : memref<100000x128xf32, #tpu.memory_space<hbm>> -> memref<100000x128xf32, #tpu.memory_space<hbm>>
    tpu.wait_indirect_dma semaphore(%arg8 : memref<!tpu.dma_semaphore, #tpu.memory_space<semaphore_mem>>) src(%dma_wait3A_144 : memref<100000x128xf32, #tpu.memory_space<hbm>>) dst(%dma_wait3A_139 : memref<128x128xf32, #tpu.memory_space<vmem>>)
    %add3A_145 = arith.constant 640 : i32
    %add3A_146 = arith.addi %mul3A_2, %add3A_145 : i32
    %run_scoped3A_147 = arith.constant 1 : i32
    "tpu.region"() ({
      %run_scoped3A_230 = tpu.sem_alloc : memref<!tpu.dma_semaphore, #tpu.memory_space<semaphore_mem>>
      %dma_start3A_231 = arith.constant 0 : i32
      %dma_start3A_232 = arith.constant 0 : i32
      %dma_start3A_233 = tpu.memref_slice %arg6[%run_scoped3A_147, %dma_start3A_231, %dma_start3A_232] : memref<2x128x128xf32, #tpu.memory_space<vmem>> -> memref<1x128x128xf32, #tpu.memory_space<vmem>>
      %dma_start3A_234 = tpu.memref_squeeze %dma_start3A_233 : memref<1x128x128xf32, #tpu.memory_space<vmem>> -> memref<128x128xf32, #tpu.memory_space<vmem>>
      %dma_start3A_235 = arith.constant 0 : i32
      %dma_start3A_236 = tpu.memref_slice %arg4[%add3A_146, %dma_start3A_235] : memref<40960x128xf32, #tpu.memory_space<hbm>> -> memref<128x128xf32, #tpu.memory_space<hbm>>
      %dma_start3A_237 = arith.constant 0 : i32
      %dma_start3A_238 = tpu.memref_slice %arg4[%add3A_146, %dma_start3A_237] : memref<40960x128xf32, #tpu.memory_space<hbm>> -> memref<128x128xf32, #tpu.memory_space<hbm>>
      %dma_start3A_239 = arith.constant 0 : i32
      %dma_start3A_240 = arith.constant 0 : i32
      %dma_start3A_241 = tpu.memref_slice %arg6[%run_scoped3A_147, %dma_start3A_239, %dma_start3A_240] : memref<2x128x128xf32, #tpu.memory_space<vmem>> -> memref<1x128x128xf32, #tpu.memory_space<vmem>>
      %dma_start3A_242 = tpu.memref_squeeze %dma_start3A_241 : memref<1x128x128xf32, #tpu.memory_space<vmem>> -> memref<128x128xf32, #tpu.memory_space<vmem>>
      tpu.enqueue_dma source(%dma_start3A_242 : memref<128x128xf32, #tpu.memory_space<vmem>>) target(%dma_start3A_238 : memref<128x128xf32, #tpu.memory_space<hbm>>) target_semaphore(%run_scoped3A_230 : memref<!tpu.dma_semaphore, #tpu.memory_space<semaphore_mem>>)
      %dma_wait3A_243 = arith.constant 0 : i32
      %dma_wait3A_244 = arith.constant 0 : i32
      %dma_wait3A_245 = tpu.memref_slice %arg6[%run_scoped3A_147, %dma_wait3A_243, %dma_wait3A_244] : memref<2x128x128xf32, #tpu.memory_space<vmem>> -> memref<1x128x128xf32, #tpu.memory_space<vmem>>
      %dma_wait3A_246 = tpu.memref_squeeze %dma_wait3A_245 : memref<1x128x128xf32, #tpu.memory_space<vmem>> -> memref<128x128xf32, #tpu.memory_space<vmem>>
      %dma_wait3A_247 = arith.constant 0 : i32
      %dma_wait3A_248 = tpu.memref_slice %arg4[%add3A_146, %dma_wait3A_247] : memref<40960x128xf32, #tpu.memory_space<hbm>> -> memref<128x128xf32, #tpu.memory_space<hbm>>
      %dma_wait3A_249 = arith.constant 0 : i32
      %dma_wait3A_250 = tpu.memref_slice %arg4[%add3A_146, %dma_wait3A_249] : memref<40960x128xf32, #tpu.memory_space<hbm>> -> memref<128x128xf32, #tpu.memory_space<hbm>>
      %dma_wait3A_251 = arith.constant 0 : i32
      %dma_wait3A_252 = arith.constant 0 : i32
      %dma_wait3A_253 = tpu.memref_slice %arg6[%run_scoped3A_147, %dma_wait3A_251, %dma_wait3A_252] : memref<2x128x128xf32, #tpu.memory_space<vmem>> -> memref<1x128x128xf32, #tpu.memory_space<vmem>>
      %dma_wait3A_254 = tpu.memref_squeeze %dma_wait3A_253 : memref<1x128x128xf32, #tpu.memory_space<vmem>> -> memref<128x128xf32, #tpu.memory_space<vmem>>
      tpu.wait_dma2 semaphore(%run_scoped3A_230 : memref<!tpu.dma_semaphore, #tpu.memory_space<semaphore_mem>>) src(%dma_wait3A_254 : memref<128x128xf32, #tpu.memory_space<vmem>>) dst(%dma_wait3A_250 : memref<128x128xf32, #tpu.memory_space<hbm>>)
      tpu.yield
    }) : () -> ()
    %dma_start3A_148 = arith.constant 1 : i32
    %dma_start3A_149 = arith.constant 0 : i32
    %dma_start3A_150 = arith.constant 0 : i32
    %dma_start3A_151 = tpu.memref_slice %arg6[%dma_start3A_148, %dma_start3A_149, %dma_start3A_150] : memref<2x128x128xf32, #tpu.memory_space<vmem>> -> memref<1x128x128xf32, #tpu.memory_space<vmem>>
    %dma_start3A_152 = tpu.memref_squeeze %dma_start3A_151 : memref<1x128x128xf32, #tpu.memory_space<vmem>> -> memref<128x128xf32, #tpu.memory_space<vmem>>
    %dma_start3A_153 = arith.constant 896 : i32
    %dma_start3A_154 = tpu.memref_slice %arg5[%dma_start3A_153] : memref<1280xi32, #tpu.memory_space<vmem>> -> memref<128xi32, #tpu.memory_space<vmem>>
    %dma_start3A_155 = arith.constant 0 : i32
    %dma_start3A_156 = arith.constant 0 : i32
    %dma_start3A_157 = tpu.memref_slice %arg2[%dma_start3A_155, %dma_start3A_156] : memref<100000x128xf32, #tpu.memory_space<hbm>> -> memref<100000x128xf32, #tpu.memory_space<hbm>>
    tpu.enqueue_indirect_dma source(%dma_start3A_157 : memref<100000x128xf32, #tpu.memory_space<hbm>>) target(%dma_start3A_152 : memref<128x128xf32, #tpu.memory_space<vmem>>) offsets(%dma_start3A_154 : memref<128xi32, #tpu.memory_space<vmem>>) semaphore(%arg8 : memref<!tpu.dma_semaphore, #tpu.memory_space<semaphore_mem>>)
    %dma_wait3A_158 = arith.constant 0 : i32
    %dma_wait3A_159 = arith.constant 0 : i32
    %dma_wait3A_160 = arith.constant 0 : i32
    %dma_wait3A_161 = tpu.memref_slice %arg6[%dma_wait3A_158, %dma_wait3A_159, %dma_wait3A_160] : memref<2x128x128xf32, #tpu.memory_space<vmem>> -> memref<1x128x128xf32, #tpu.memory_space<vmem>>
    %dma_wait3A_162 = tpu.memref_squeeze %dma_wait3A_161 : memref<1x128x128xf32, #tpu.memory_space<vmem>> -> memref<128x128xf32, #tpu.memory_space<vmem>>
    %dma_wait3A_163 = arith.constant 768 : i32
    %dma_wait3A_164 = tpu.memref_slice %arg5[%dma_wait3A_163] : memref<1280xi32, #tpu.memory_space<vmem>> -> memref<128xi32, #tpu.memory_space<vmem>>
    %dma_wait3A_165 = arith.constant 0 : i32
    %dma_wait3A_166 = arith.constant 0 : i32
    %dma_wait3A_167 = tpu.memref_slice %arg2[%dma_wait3A_165, %dma_wait3A_166] : memref<100000x128xf32, #tpu.memory_space<hbm>> -> memref<100000x128xf32, #tpu.memory_space<hbm>>
    tpu.wait_indirect_dma semaphore(%arg7 : memref<!tpu.dma_semaphore, #tpu.memory_space<semaphore_mem>>) src(%dma_wait3A_167 : memref<100000x128xf32, #tpu.memory_space<hbm>>) dst(%dma_wait3A_162 : memref<128x128xf32, #tpu.memory_space<vmem>>)
    %add3A_168 = arith.constant 768 : i32
    %add3A_169 = arith.addi %mul3A_2, %add3A_168 : i32
    %run_scoped3A_170 = arith.constant 0 : i32
    "tpu.region"() ({
      %run_scoped3A_230 = tpu.sem_alloc : memref<!tpu.dma_semaphore, #tpu.memory_space<semaphore_mem>>
      %dma_start3A_231 = arith.constant 0 : i32
      %dma_start3A_232 = arith.constant 0 : i32
      %dma_start3A_233 = tpu.memref_slice %arg6[%run_scoped3A_170, %dma_start3A_231, %dma_start3A_232] : memref<2x128x128xf32, #tpu.memory_space<vmem>> -> memref<1x128x128xf32, #tpu.memory_space<vmem>>
      %dma_start3A_234 = tpu.memref_squeeze %dma_start3A_233 : memref<1x128x128xf32, #tpu.memory_space<vmem>> -> memref<128x128xf32, #tpu.memory_space<vmem>>
      %dma_start3A_235 = arith.constant 0 : i32
      %dma_start3A_236 = tpu.memref_slice %arg4[%add3A_169, %dma_start3A_235] : memref<40960x128xf32, #tpu.memory_space<hbm>> -> memref<128x128xf32, #tpu.memory_space<hbm>>
      %dma_start3A_237 = arith.constant 0 : i32
      %dma_start3A_238 = tpu.memref_slice %arg4[%add3A_169, %dma_start3A_237] : memref<40960x128xf32, #tpu.memory_space<hbm>> -> memref<128x128xf32, #tpu.memory_space<hbm>>
      %dma_start3A_239 = arith.constant 0 : i32
      %dma_start3A_240 = arith.constant 0 : i32
      %dma_start3A_241 = tpu.memref_slice %arg6[%run_scoped3A_170, %dma_start3A_239, %dma_start3A_240] : memref<2x128x128xf32, #tpu.memory_space<vmem>> -> memref<1x128x128xf32, #tpu.memory_space<vmem>>
      %dma_start3A_242 = tpu.memref_squeeze %dma_start3A_241 : memref<1x128x128xf32, #tpu.memory_space<vmem>> -> memref<128x128xf32, #tpu.memory_space<vmem>>
      tpu.enqueue_dma source(%dma_start3A_242 : memref<128x128xf32, #tpu.memory_space<vmem>>) target(%dma_start3A_238 : memref<128x128xf32, #tpu.memory_space<hbm>>) target_semaphore(%run_scoped3A_230 : memref<!tpu.dma_semaphore, #tpu.memory_space<semaphore_mem>>)
      %dma_wait3A_243 = arith.constant 0 : i32
      %dma_wait3A_244 = arith.constant 0 : i32
      %dma_wait3A_245 = tpu.memref_slice %arg6[%run_scoped3A_170, %dma_wait3A_243, %dma_wait3A_244] : memref<2x128x128xf32, #tpu.memory_space<vmem>> -> memref<1x128x128xf32, #tpu.memory_space<vmem>>
      %dma_wait3A_246 = tpu.memref_squeeze %dma_wait3A_245 : memref<1x128x128xf32, #tpu.memory_space<vmem>> -> memref<128x128xf32, #tpu.memory_space<vmem>>
      %dma_wait3A_247 = arith.constant 0 : i32
      %dma_wait3A_248 = tpu.memref_slice %arg4[%add3A_169, %dma_wait3A_247] : memref<40960x128xf32, #tpu.memory_space<hbm>> -> memref<128x128xf32, #tpu.memory_space<hbm>>
      %dma_wait3A_249 = arith.constant 0 : i32
      %dma_wait3A_250 = tpu.memref_slice %arg4[%add3A_169, %dma_wait3A_249] : memref<40960x128xf32, #tpu.memory_space<hbm>> -> memref<128x128xf32, #tpu.memory_space<hbm>>
      %dma_wait3A_251 = arith.constant 0 : i32
      %dma_wait3A_252 = arith.constant 0 : i32
      %dma_wait3A_253 = tpu.memref_slice %arg6[%run_scoped3A_170, %dma_wait3A_251, %dma_wait3A_252] : memref<2x128x128xf32, #tpu.memory_space<vmem>> -> memref<1x128x128xf32, #tpu.memory_space<vmem>>
      %dma_wait3A_254 = tpu.memref_squeeze %dma_wait3A_253 : memref<1x128x128xf32, #tpu.memory_space<vmem>> -> memref<128x128xf32, #tpu.memory_space<vmem>>
      tpu.wait_dma2 semaphore(%run_scoped3A_230 : memref<!tpu.dma_semaphore, #tpu.memory_space<semaphore_mem>>) src(%dma_wait3A_254 : memref<128x128xf32, #tpu.memory_space<vmem>>) dst(%dma_wait3A_250 : memref<128x128xf32, #tpu.memory_space<hbm>>)
      tpu.yield
    }) : () -> ()
    %dma_start3A_171 = arith.constant 0 : i32
    %dma_start3A_172 = arith.constant 0 : i32
    %dma_start3A_173 = arith.constant 0 : i32
    %dma_start3A_174 = tpu.memref_slice %arg6[%dma_start3A_171, %dma_start3A_172, %dma_start3A_173] : memref<2x128x128xf32, #tpu.memory_space<vmem>> -> memref<1x128x128xf32, #tpu.memory_space<vmem>>
    %dma_start3A_175 = tpu.memref_squeeze %dma_start3A_174 : memref<1x128x128xf32, #tpu.memory_space<vmem>> -> memref<128x128xf32, #tpu.memory_space<vmem>>
    %dma_start3A_176 = arith.constant 1024 : i32
    %dma_start3A_177 = tpu.memref_slice %arg5[%dma_start3A_176] : memref<1280xi32, #tpu.memory_space<vmem>> -> memref<128xi32, #tpu.memory_space<vmem>>
    %dma_start3A_178 = arith.constant 0 : i32
    %dma_start3A_179 = arith.constant 0 : i32
    %dma_start3A_180 = tpu.memref_slice %arg2[%dma_start3A_178, %dma_start3A_179] : memref<100000x128xf32, #tpu.memory_space<hbm>> -> memref<100000x128xf32, #tpu.memory_space<hbm>>
    tpu.enqueue_indirect_dma source(%dma_start3A_180 : memref<100000x128xf32, #tpu.memory_space<hbm>>) target(%dma_start3A_175 : memref<128x128xf32, #tpu.memory_space<vmem>>) offsets(%dma_start3A_177 : memref<128xi32, #tpu.memory_space<vmem>>) semaphore(%arg7 : memref<!tpu.dma_semaphore, #tpu.memory_space<semaphore_mem>>)
    %dma_wait3A_181 = arith.constant 1 : i32
    %dma_wait3A_182 = arith.constant 0 : i32
    %dma_wait3A_183 = arith.constant 0 : i32
    %dma_wait3A_184 = tpu.memref_slice %arg6[%dma_wait3A_181, %dma_wait3A_182, %dma_wait3A_183] : memref<2x128x128xf32, #tpu.memory_space<vmem>> -> memref<1x128x128xf32, #tpu.memory_space<vmem>>
    %dma_wait3A_185 = tpu.memref_squeeze %dma_wait3A_184 : memref<1x128x128xf32, #tpu.memory_space<vmem>> -> memref<128x128xf32, #tpu.memory_space<vmem>>
    %dma_wait3A_186 = arith.constant 896 : i32
    %dma_wait3A_187 = tpu.memref_slice %arg5[%dma_wait3A_186] : memref<1280xi32, #tpu.memory_space<vmem>> -> memref<128xi32, #tpu.memory_space<vmem>>
    %dma_wait3A_188 = arith.constant 0 : i32
    %dma_wait3A_189 = arith.constant 0 : i32
    %dma_wait3A_190 = tpu.memref_slice %arg2[%dma_wait3A_188, %dma_wait3A_189] : memref<100000x128xf32, #tpu.memory_space<hbm>> -> memref<100000x128xf32, #tpu.memory_space<hbm>>
    tpu.wait_indirect_dma semaphore(%arg8 : memref<!tpu.dma_semaphore, #tpu.memory_space<semaphore_mem>>) src(%dma_wait3A_190 : memref<100000x128xf32, #tpu.memory_space<hbm>>) dst(%dma_wait3A_185 : memref<128x128xf32, #tpu.memory_space<vmem>>)
    %add3A_191 = arith.constant 896 : i32
    %add3A_192 = arith.addi %mul3A_2, %add3A_191 : i32
    %run_scoped3A_193 = arith.constant 1 : i32
    "tpu.region"() ({
      %run_scoped3A_230 = tpu.sem_alloc : memref<!tpu.dma_semaphore, #tpu.memory_space<semaphore_mem>>
      %dma_start3A_231 = arith.constant 0 : i32
      %dma_start3A_232 = arith.constant 0 : i32
      %dma_start3A_233 = tpu.memref_slice %arg6[%run_scoped3A_193, %dma_start3A_231, %dma_start3A_232] : memref<2x128x128xf32, #tpu.memory_space<vmem>> -> memref<1x128x128xf32, #tpu.memory_space<vmem>>
      %dma_start3A_234 = tpu.memref_squeeze %dma_start3A_233 : memref<1x128x128xf32, #tpu.memory_space<vmem>> -> memref<128x128xf32, #tpu.memory_space<vmem>>
      %dma_start3A_235 = arith.constant 0 : i32
      %dma_start3A_236 = tpu.memref_slice %arg4[%add3A_192, %dma_start3A_235] : memref<40960x128xf32, #tpu.memory_space<hbm>> -> memref<128x128xf32, #tpu.memory_space<hbm>>
      %dma_start3A_237 = arith.constant 0 : i32
      %dma_start3A_238 = tpu.memref_slice %arg4[%add3A_192, %dma_start3A_237] : memref<40960x128xf32, #tpu.memory_space<hbm>> -> memref<128x128xf32, #tpu.memory_space<hbm>>
      %dma_start3A_239 = arith.constant 0 : i32
      %dma_start3A_240 = arith.constant 0 : i32
      %dma_start3A_241 = tpu.memref_slice %arg6[%run_scoped3A_193, %dma_start3A_239, %dma_start3A_240] : memref<2x128x128xf32, #tpu.memory_space<vmem>> -> memref<1x128x128xf32, #tpu.memory_space<vmem>>
      %dma_start3A_242 = tpu.memref_squeeze %dma_start3A_241 : memref<1x128x128xf32, #tpu.memory_space<vmem>> -> memref<128x128xf32, #tpu.memory_space<vmem>>
      tpu.enqueue_dma source(%dma_start3A_242 : memref<128x128xf32, #tpu.memory_space<vmem>>) target(%dma_start3A_238 : memref<128x128xf32, #tpu.memory_space<hbm>>) target_semaphore(%run_scoped3A_230 : memref<!tpu.dma_semaphore, #tpu.memory_space<semaphore_mem>>)
      %dma_wait3A_243 = arith.constant 0 : i32
      %dma_wait3A_244 = arith.constant 0 : i32
      %dma_wait3A_245 = tpu.memref_slice %arg6[%run_scoped3A_193, %dma_wait3A_243, %dma_wait3A_244] : memref<2x128x128xf32, #tpu.memory_space<vmem>> -> memref<1x128x128xf32, #tpu.memory_space<vmem>>
      %dma_wait3A_246 = tpu.memref_squeeze %dma_wait3A_245 : memref<1x128x128xf32, #tpu.memory_space<vmem>> -> memref<128x128xf32, #tpu.memory_space<vmem>>
      %dma_wait3A_247 = arith.constant 0 : i32
      %dma_wait3A_248 = tpu.memref_slice %arg4[%add3A_192, %dma_wait3A_247] : memref<40960x128xf32, #tpu.memory_space<hbm>> -> memref<128x128xf32, #tpu.memory_space<hbm>>
      %dma_wait3A_249 = arith.constant 0 : i32
      %dma_wait3A_250 = tpu.memref_slice %arg4[%add3A_192, %dma_wait3A_249] : memref<40960x128xf32, #tpu.memory_space<hbm>> -> memref<128x128xf32, #tpu.memory_space<hbm>>
      %dma_wait3A_251 = arith.constant 0 : i32
      %dma_wait3A_252 = arith.constant 0 : i32
      %dma_wait3A_253 = tpu.memref_slice %arg6[%run_scoped3A_193, %dma_wait3A_251, %dma_wait3A_252] : memref<2x128x128xf32, #tpu.memory_space<vmem>> -> memref<1x128x128xf32, #tpu.memory_space<vmem>>
      %dma_wait3A_254 = tpu.memref_squeeze %dma_wait3A_253 : memref<1x128x128xf32, #tpu.memory_space<vmem>> -> memref<128x128xf32, #tpu.memory_space<vmem>>
      tpu.wait_dma2 semaphore(%run_scoped3A_230 : memref<!tpu.dma_semaphore, #tpu.memory_space<semaphore_mem>>) src(%dma_wait3A_254 : memref<128x128xf32, #tpu.memory_space<vmem>>) dst(%dma_wait3A_250 : memref<128x128xf32, #tpu.memory_space<hbm>>)
      tpu.yield
    }) : () -> ()
    %dma_start3A_194 = arith.constant 1 : i32
    %dma_start3A_195 = arith.constant 0 : i32
    %dma_start3A_196 = arith.constant 0 : i32
    %dma_start3A_197 = tpu.memref_slice %arg6[%dma_start3A_194, %dma_start3A_195, %dma_start3A_196] : memref<2x128x128xf32, #tpu.memory_space<vmem>> -> memref<1x128x128xf32, #tpu.memory_space<vmem>>
    %dma_start3A_198 = tpu.memref_squeeze %dma_start3A_197 : memref<1x128x128xf32, #tpu.memory_space<vmem>> -> memref<128x128xf32, #tpu.memory_space<vmem>>
    %dma_start3A_199 = arith.constant 1152 : i32
    %dma_start3A_200 = tpu.memref_slice %arg5[%dma_start3A_199] : memref<1280xi32, #tpu.memory_space<vmem>> -> memref<128xi32, #tpu.memory_space<vmem>>
    %dma_start3A_201 = arith.constant 0 : i32
    %dma_start3A_202 = arith.constant 0 : i32
    %dma_start3A_203 = tpu.memref_slice %arg2[%dma_start3A_201, %dma_start3A_202] : memref<100000x128xf32, #tpu.memory_space<hbm>> -> memref<100000x128xf32, #tpu.memory_space<hbm>>
    tpu.enqueue_indirect_dma source(%dma_start3A_203 : memref<100000x128xf32, #tpu.memory_space<hbm>>) target(%dma_start3A_198 : memref<128x128xf32, #tpu.memory_space<vmem>>) offsets(%dma_start3A_200 : memref<128xi32, #tpu.memory_space<vmem>>) semaphore(%arg8 : memref<!tpu.dma_semaphore, #tpu.memory_space<semaphore_mem>>)
    %dma_wait3A_204 = arith.constant 0 : i32
    %dma_wait3A_205 = arith.constant 0 : i32
    %dma_wait3A_206 = arith.constant 0 : i32
    %dma_wait3A_207 = tpu.memref_slice %arg6[%dma_wait3A_204, %dma_wait3A_205, %dma_wait3A_206] : memref<2x128x128xf32, #tpu.memory_space<vmem>> -> memref<1x128x128xf32, #tpu.memory_space<vmem>>
    %dma_wait3A_208 = tpu.memref_squeeze %dma_wait3A_207 : memref<1x128x128xf32, #tpu.memory_space<vmem>> -> memref<128x128xf32, #tpu.memory_space<vmem>>
    %dma_wait3A_209 = arith.constant 1024 : i32
    %dma_wait3A_210 = tpu.memref_slice %arg5[%dma_wait3A_209] : memref<1280xi32, #tpu.memory_space<vmem>> -> memref<128xi32, #tpu.memory_space<vmem>>
    %dma_wait3A_211 = arith.constant 0 : i32
    %dma_wait3A_212 = arith.constant 0 : i32
    %dma_wait3A_213 = tpu.memref_slice %arg2[%dma_wait3A_211, %dma_wait3A_212] : memref<100000x128xf32, #tpu.memory_space<hbm>> -> memref<100000x128xf32, #tpu.memory_space<hbm>>
    tpu.wait_indirect_dma semaphore(%arg7 : memref<!tpu.dma_semaphore, #tpu.memory_space<semaphore_mem>>) src(%dma_wait3A_213 : memref<100000x128xf32, #tpu.memory_space<hbm>>) dst(%dma_wait3A_208 : memref<128x128xf32, #tpu.memory_space<vmem>>)
    %add3A_214 = arith.constant 1024 : i32
    %add3A_215 = arith.addi %mul3A_2, %add3A_214 : i32
    %run_scoped3A_216 = arith.constant 0 : i32
    "tpu.region"() ({
      %run_scoped3A_230 = tpu.sem_alloc : memref<!tpu.dma_semaphore, #tpu.memory_space<semaphore_mem>>
      %dma_start3A_231 = arith.constant 0 : i32
      %dma_start3A_232 = arith.constant 0 : i32
      %dma_start3A_233 = tpu.memref_slice %arg6[%run_scoped3A_216, %dma_start3A_231, %dma_start3A_232] : memref<2x128x128xf32, #tpu.memory_space<vmem>> -> memref<1x128x128xf32, #tpu.memory_space<vmem>>
      %dma_start3A_234 = tpu.memref_squeeze %dma_start3A_233 : memref<1x128x128xf32, #tpu.memory_space<vmem>> -> memref<128x128xf32, #tpu.memory_space<vmem>>
      %dma_start3A_235 = arith.constant 0 : i32
      %dma_start3A_236 = tpu.memref_slice %arg4[%add3A_215, %dma_start3A_235] : memref<40960x128xf32, #tpu.memory_space<hbm>> -> memref<128x128xf32, #tpu.memory_space<hbm>>
      %dma_start3A_237 = arith.constant 0 : i32
      %dma_start3A_238 = tpu.memref_slice %arg4[%add3A_215, %dma_start3A_237] : memref<40960x128xf32, #tpu.memory_space<hbm>> -> memref<128x128xf32, #tpu.memory_space<hbm>>
      %dma_start3A_239 = arith.constant 0 : i32
      %dma_start3A_240 = arith.constant 0 : i32
      %dma_start3A_241 = tpu.memref_slice %arg6[%run_scoped3A_216, %dma_start3A_239, %dma_start3A_240] : memref<2x128x128xf32, #tpu.memory_space<vmem>> -> memref<1x128x128xf32, #tpu.memory_space<vmem>>
      %dma_start3A_242 = tpu.memref_squeeze %dma_start3A_241 : memref<1x128x128xf32, #tpu.memory_space<vmem>> -> memref<128x128xf32, #tpu.memory_space<vmem>>
      tpu.enqueue_dma source(%dma_start3A_242 : memref<128x128xf32, #tpu.memory_space<vmem>>) target(%dma_start3A_238 : memref<128x128xf32, #tpu.memory_space<hbm>>) target_semaphore(%run_scoped3A_230 : memref<!tpu.dma_semaphore, #tpu.memory_space<semaphore_mem>>)
      %dma_wait3A_243 = arith.constant 0 : i32
      %dma_wait3A_244 = arith.constant 0 : i32
      %dma_wait3A_245 = tpu.memref_slice %arg6[%run_scoped3A_216, %dma_wait3A_243, %dma_wait3A_244] : memref<2x128x128xf32, #tpu.memory_space<vmem>> -> memref<1x128x128xf32, #tpu.memory_space<vmem>>
      %dma_wait3A_246 = tpu.memref_squeeze %dma_wait3A_245 : memref<1x128x128xf32, #tpu.memory_space<vmem>> -> memref<128x128xf32, #tpu.memory_space<vmem>>
      %dma_wait3A_247 = arith.constant 0 : i32
      %dma_wait3A_248 = tpu.memref_slice %arg4[%add3A_215, %dma_wait3A_247] : memref<40960x128xf32, #tpu.memory_space<hbm>> -> memref<128x128xf32, #tpu.memory_space<hbm>>
      %dma_wait3A_249 = arith.constant 0 : i32
      %dma_wait3A_250 = tpu.memref_slice %arg4[%add3A_215, %dma_wait3A_249] : memref<40960x128xf32, #tpu.memory_space<hbm>> -> memref<128x128xf32, #tpu.memory_space<hbm>>
      %dma_wait3A_251 = arith.constant 0 : i32
      %dma_wait3A_252 = arith.constant 0 : i32
      %dma_wait3A_253 = tpu.memref_slice %arg6[%run_scoped3A_216, %dma_wait3A_251, %dma_wait3A_252] : memref<2x128x128xf32, #tpu.memory_space<vmem>> -> memref<1x128x128xf32, #tpu.memory_space<vmem>>
      %dma_wait3A_254 = tpu.memref_squeeze %dma_wait3A_253 : memref<1x128x128xf32, #tpu.memory_space<vmem>> -> memref<128x128xf32, #tpu.memory_space<vmem>>
      tpu.wait_dma2 semaphore(%run_scoped3A_230 : memref<!tpu.dma_semaphore, #tpu.memory_space<semaphore_mem>>) src(%dma_wait3A_254 : memref<128x128xf32, #tpu.memory_space<vmem>>) dst(%dma_wait3A_250 : memref<128x128xf32, #tpu.memory_space<hbm>>)
      tpu.yield
    }) : () -> ()
    %dma_wait3A_217 = arith.constant 1 : i32
    %dma_wait3A_218 = arith.constant 0 : i32
    %dma_wait3A_219 = arith.constant 0 : i32
    %dma_wait3A_220 = tpu.memref_slice %arg6[%dma_wait3A_217, %dma_wait3A_218, %dma_wait3A_219] : memref<2x128x128xf32, #tpu.memory_space<vmem>> -> memref<1x128x128xf32, #tpu.memory_space<vmem>>
    %dma_wait3A_221 = tpu.memref_squeeze %dma_wait3A_220 : memref<1x128x128xf32, #tpu.memory_space<vmem>> -> memref<128x128xf32, #tpu.memory_space<vmem>>
    %dma_wait3A_222 = arith.constant 1152 : i32
    %dma_wait3A_223 = tpu.memref_slice %arg5[%dma_wait3A_222] : memref<1280xi32, #tpu.memory_space<vmem>> -> memref<128xi32, #tpu.memory_space<vmem>>
    %dma_wait3A_224 = arith.constant 0 : i32
    %dma_wait3A_225 = arith.constant 0 : i32
    %dma_wait3A_226 = tpu.memref_slice %arg2[%dma_wait3A_224, %dma_wait3A_225] : memref<100000x128xf32, #tpu.memory_space<hbm>> -> memref<100000x128xf32, #tpu.memory_space<hbm>>
    tpu.wait_indirect_dma semaphore(%arg8 : memref<!tpu.dma_semaphore, #tpu.memory_space<semaphore_mem>>) src(%dma_wait3A_226 : memref<100000x128xf32, #tpu.memory_space<hbm>>) dst(%dma_wait3A_221 : memref<128x128xf32, #tpu.memory_space<vmem>>)
    %add3A_227 = arith.constant 1152 : i32
    %add3A_228 = arith.addi %mul3A_2, %add3A_227 : i32
    %run_scoped3A_229 = arith.constant 1 : i32
    "tpu.region"() ({
      %run_scoped3A_230 = tpu.sem_alloc : memref<!tpu.dma_semaphore, #tpu.memory_space<semaphore_mem>>
      %dma_start3A_231 = arith.constant 0 : i32
      %dma_start3A_232 = arith.constant 0 : i32
      %dma_start3A_233 = tpu.memref_slice %arg6[%run_scoped3A_229, %dma_start3A_231, %dma_start3A_232] : memref<2x128x128xf32, #tpu.memory_space<vmem>> -> memref<1x128x128xf32, #tpu.memory_space<vmem>>
      %dma_start3A_234 = tpu.memref_squeeze %dma_start3A_233 : memref<1x128x128xf32, #tpu.memory_space<vmem>> -> memref<128x128xf32, #tpu.memory_space<vmem>>
      %dma_start3A_235 = arith.constant 0 : i32
      %dma_start3A_236 = tpu.memref_slice %arg4[%add3A_228, %dma_start3A_235] : memref<40960x128xf32, #tpu.memory_space<hbm>> -> memref<128x128xf32, #tpu.memory_space<hbm>>
      %dma_start3A_237 = arith.constant 0 : i32
      %dma_start3A_238 = tpu.memref_slice %arg4[%add3A_228, %dma_start3A_237] : memref<40960x128xf32, #tpu.memory_space<hbm>> -> memref<128x128xf32, #tpu.memory_space<hbm>>
      %dma_start3A_239 = arith.constant 0 : i32
      %dma_start3A_240 = arith.constant 0 : i32
      %dma_start3A_241 = tpu.memref_slice %arg6[%run_scoped3A_229, %dma_start3A_239, %dma_start3A_240] : memref<2x128x128xf32, #tpu.memory_space<vmem>> -> memref<1x128x128xf32, #tpu.memory_space<vmem>>
      %dma_start3A_242 = tpu.memref_squeeze %dma_start3A_241 : memref<1x128x128xf32, #tpu.memory_space<vmem>> -> memref<128x128xf32, #tpu.memory_space<vmem>>
      tpu.enqueue_dma source(%dma_start3A_242 : memref<128x128xf32, #tpu.memory_space<vmem>>) target(%dma_start3A_238 : memref<128x128xf32, #tpu.memory_space<hbm>>) target_semaphore(%run_scoped3A_230 : memref<!tpu.dma_semaphore, #tpu.memory_space<semaphore_mem>>)
      %dma_wait3A_243 = arith.constant 0 : i32
      %dma_wait3A_244 = arith.constant 0 : i32
      %dma_wait3A_245 = tpu.memref_slice %arg6[%run_scoped3A_229, %dma_wait3A_243, %dma_wait3A_244] : memref<2x128x128xf32, #tpu.memory_space<vmem>> -> memref<1x128x128xf32, #tpu.memory_space<vmem>>
      %dma_wait3A_246 = tpu.memref_squeeze %dma_wait3A_245 : memref<1x128x128xf32, #tpu.memory_space<vmem>> -> memref<128x128xf32, #tpu.memory_space<vmem>>
      %dma_wait3A_247 = arith.constant 0 : i32
      %dma_wait3A_248 = tpu.memref_slice %arg4[%add3A_228, %dma_wait3A_247] : memref<40960x128xf32, #tpu.memory_space<hbm>> -> memref<128x128xf32, #tpu.memory_space<hbm>>
      %dma_wait3A_249 = arith.constant 0 : i32
      %dma_wait3A_250 = tpu.memref_slice %arg4[%add3A_228, %dma_wait3A_249] : memref<40960x128xf32, #tpu.memory_space<hbm>> -> memref<128x128xf32, #tpu.memory_space<hbm>>
      %dma_wait3A_251 = arith.constant 0 : i32
      %dma_wait3A_252 = arith.constant 0 : i32
      %dma_wait3A_253 = tpu.memref_slice %arg6[%run_scoped3A_229, %dma_wait3A_251, %dma_wait3A_252] : memref<2x128x128xf32, #tpu.memory_space<vmem>> -> memref<1x128x128xf32, #tpu.memory_space<vmem>>
      %dma_wait3A_254 = tpu.memref_squeeze %dma_wait3A_253 : memref<1x128x128xf32, #tpu.memory_space<vmem>> -> memref<128x128xf32, #tpu.memory_space<vmem>>
      tpu.wait_dma2 semaphore(%run_scoped3A_230 : memref<!tpu.dma_semaphore, #tpu.memory_space<semaphore_mem>>) src(%dma_wait3A_254 : memref<128x128xf32, #tpu.memory_space<vmem>>) dst(%dma_wait3A_250 : memref<128x128xf32, #tpu.memory_space<hbm>>)
      tpu.yield
    }) : () -> ()
    return
  }
}

module attributes {stable_mosaic.version = 14 : i64} {
  func.func @_matmul_block_into(%arg0: i32, %arg1: memref<81920x128xf32, #tpu.memory_space<any>>, %arg2: memref<2048x128xf32, #tpu.memory_space<vmem>>, %arg3: memref<128x128xf32, #tpu.memory_space<vmem>>, %arg4: memref<1x128xf32, #tpu.memory_space<vmem>>, %arg5: memref<2048x128xf32, #tpu.memory_space<vmem>>) attributes {dimension_semantics = [#tpu.dimension_semantics<arbitrary>], iteration_bounds = array<i64: 20>, scalar_prefetch = 0 : i64, scratch_operands = 0 : i64, tpu.core_type = #tpu.core_type<tc>, window_params = [{}, {transform_indices = @transform_1, window_bounds = array<i64: 2048, 128>}, {pipeline_mode = #tpu.pipeline_mode<synchronous>, transform_indices = @transform_2, window_bounds = array<i64: 128, 128>}, {pipeline_mode = #tpu.pipeline_mode<synchronous>, transform_indices = @transform_3, window_bounds = array<i64: 1, 128>}, {transform_indices = @transform_4, window_bounds = array<i64: 2048, 128>}]} {
    %get3A = arith.constant 0 : index
    %get3A_0 = arith.constant 0 : index
    %get3A_1 = vector.load %arg2[%get3A, %get3A_0] : memref<2048x128xf32, #tpu.memory_space<vmem>>, vector<2048x128xf32>
    %get3A_2 = arith.constant 0 : index
    %get3A_3 = arith.constant 0 : index
    %get3A_4 = vector.load %arg3[%get3A_2, %get3A_3] : memref<128x128xf32, #tpu.memory_space<vmem>>, vector<128x128xf32>
    %dot_general3A = arith.constant dense<0.000000e+00> : vector<2048x128xf32>
    %dot_general3A_5 = tpu.matmul %get3A_1, %get3A_4, %dot_general3A {dimension_numbers = #tpu.dot_dimension_numbers<[1], [0], [0], [1], [0, 0, 1, 1], [], []>, transpose_lhs_hint = false} : vector<2048x128xf32>, vector<128x128xf32>, vector<2048x128xf32> -> vector<2048x128xf32>
    %get3A_6 = arith.constant 0 : index
    %get3A_7 = arith.constant 0 : index
    %get3A_8 = vector.load %arg4[%get3A_6, %get3A_7] : memref<1x128xf32, #tpu.memory_space<vmem>>, vector<1x128xf32>
    %add3A = vector.broadcast %get3A_8 : vector<1x128xf32> to vector<2048x128xf32>
    %add3A_9 = arith.addf %dot_general3A_5, %add3A : vector<2048x128xf32>
    %swap3A = arith.constant 0 : index
    %swap3A_10 = arith.constant 0 : index
    %swap3A_11 = vector.load %arg5[%swap3A, %swap3A_10] : memref<2048x128xf32, #tpu.memory_space<vmem>>, vector<2048x128xf32>
    tpu.vector_store %arg5[%swap3A, %swap3A_10], %add3A_9 {strides = array<i32>} : memref<2048x128xf32, #tpu.memory_space<vmem>>, vector<2048x128xf32>,
    return
  }
  func.func @transform_1(%arg0: i32) -> (i32, i32) {
    %c0_i32 = arith.constant 0 : i32
    %c0_i32_0 = arith.constant 0 : i32
    return %arg0, %c0_i32 : i32, i32
  }
  func.func @transform_2(%arg0: i32) -> (i32, i32) {
    %c0_i32 = arith.constant 0 : i32
    %c0_i32_0 = arith.constant 0 : i32
    %c0_i32_1 = arith.constant 0 : i32
    return %c0_i32, %c0_i32_0 : i32, i32
  }
  func.func @transform_3(%arg0: i32) -> (i32, i32) {
    %c0_i32 = arith.constant 0 : i32
    %c0_i32_0 = arith.constant 0 : i32
    %c0_i32_1 = arith.constant 0 : i32
    return %c0_i32, %c0_i32_0 : i32, i32
  }
  func.func @transform_4(%arg0: i32) -> (i32, i32) {
    %add3A = arith.constant 20 : i32
    %add3A_0 = arith.addi %arg0, %add3A : i32
    %c0_i32 = arith.constant 0 : i32
    %c0_i32_1 = arith.constant 0 : i32
    return %add3A_0, %c0_i32 : i32, i32
  }
}

module attributes {stable_mosaic.version = 14 : i64} {
  func.func @_matmul_block(%arg0: i32, %arg1: memref<2048x128xf32, #tpu.memory_space<vmem>>, %arg2: memref<128x128xf32, #tpu.memory_space<vmem>>, %arg3: memref<1x128xf32, #tpu.memory_space<vmem>>, %arg4: memref<2048x128xf32, #tpu.memory_space<vmem>>) attributes {dimension_semantics = [#tpu.dimension_semantics<arbitrary>], iteration_bounds = array<i64: 20>, scalar_prefetch = 0 : i64, scratch_operands = 0 : i64, tpu.core_type = #tpu.core_type<tc>, window_params = [{transform_indices = @transform_0, window_bounds = array<i64: 2048, 128>}, {pipeline_mode = #tpu.pipeline_mode<synchronous>, transform_indices = @transform_1, window_bounds = array<i64: 128, 128>}, {pipeline_mode = #tpu.pipeline_mode<synchronous>, transform_indices = @transform_2, window_bounds = array<i64: 1, 128>}, {transform_indices = @transform_3, window_bounds = array<i64: 2048, 128>}]} {
    %get3A = arith.constant 0 : index
    %get3A_0 = arith.constant 0 : index
    %get3A_1 = vector.load %arg1[%get3A, %get3A_0] : memref<2048x128xf32, #tpu.memory_space<vmem>>, vector<2048x128xf32>
    %get3A_2 = arith.constant 0 : index
    %get3A_3 = arith.constant 0 : index
    %get3A_4 = vector.load %arg2[%get3A_2, %get3A_3] : memref<128x128xf32, #tpu.memory_space<vmem>>, vector<128x128xf32>
    %dot_general3A = arith.constant dense<0.000000e+00> : vector<2048x128xf32>
    %dot_general3A_5 = tpu.matmul %get3A_1, %get3A_4, %dot_general3A {dimension_numbers = #tpu.dot_dimension_numbers<[1], [0], [0], [1], [0, 0, 1, 1], [], []>, transpose_lhs_hint = false} : vector<2048x128xf32>, vector<128x128xf32>, vector<2048x128xf32> -> vector<2048x128xf32>
    %get3A_6 = arith.constant 0 : index
    %get3A_7 = arith.constant 0 : index
    %get3A_8 = vector.load %arg3[%get3A_6, %get3A_7] : memref<1x128xf32, #tpu.memory_space<vmem>>, vector<1x128xf32>
    %add3A = vector.broadcast %get3A_8 : vector<1x128xf32> to vector<2048x128xf32>
    %add3A_9 = arith.addf %dot_general3A_5, %add3A : vector<2048x128xf32>
    %swap3A = arith.constant 0 : index
    %swap3A_10 = arith.constant 0 : index
    %swap3A_11 = vector.load %arg4[%swap3A, %swap3A_10] : memref<2048x128xf32, #tpu.memory_space<vmem>>, vector<2048x128xf32>
    tpu.vector_store %arg4[%swap3A, %swap3A_10], %add3A_9 {strides = array<i32>} : memref<2048x128xf32, #tpu.memory_space<vmem>>, vector<2048x128xf32>,
    return
  }
  func.func @transform_0(%arg0: i32) -> (i32, i32) {
    %c0_i32 = arith.constant 0 : i32
    %c0_i32_0 = arith.constant 0 : i32
    return %arg0, %c0_i32 : i32, i32
  }
  func.func @transform_1(%arg0: i32) -> (i32, i32) {
    %c0_i32 = arith.constant 0 : i32
    %c0_i32_0 = arith.constant 0 : i32
    %c0_i32_1 = arith.constant 0 : i32
    return %c0_i32, %c0_i32_0 : i32, i32
  }
  func.func @transform_2(%arg0: i32) -> (i32, i32) {
    %c0_i32 = arith.constant 0 : i32
    %c0_i32_0 = arith.constant 0 : i32
    %c0_i32_1 = arith.constant 0 : i32
    return %c0_i32, %c0_i32_0 : i32, i32
  }
  func.func @transform_3(%arg0: i32) -> (i32, i32) {
    %add3A = arith.constant 0 : i32
    %add3A_0 = arith.addi %arg0, %add3A : i32
    %c0_i32 = arith.constant 0 : i32
    %c0_i32_1 = arith.constant 0 : i32
    return %add3A_0, %c0_i32 : i32, i32
  }
}

</mosaic_0001>

<sc_bundles>
// kernel: kernel.6.cloned.1.call-start
scs
__scs_entry_jumppad:
0x0: {  	(pc) =	sbr.rel $0x88, $3  }
0x1: {  	(tag) =	ssettag $0x0;
	lr =	simm.s32 $0x1  }
0x2: {  	[smem:$0x3F9D] =	sst lr;
	_ =	strace $0xD0000000  }
0x3: {  	_ = 	snop  }
0x4: {  	_ = 	snop  }
0x5: {  	_ = 	snop  }
0x6: {  	_ = 	snop  }
0x7: {  	_ = 	snop  }
__scs_overlays_trampoline_lowered:
0x8: {  	[smem:$0x3FAC] =	sst s0  }
0x9: {  	[smem:$0x3FAD] =	sst s1  }
0xa: {  	[smem:$0x3FAE] =	sst s2  }
0xb: {  	[smem:$0x3FAF] =	sst s3  }
0xc: {  	[smem:$0x3FB0] =	sst s4  }
0xd: {  	[smem:$0x3FB1] =	sst s5  }
0xe: {  	[smem:$0x3FB2] =	sst s6  }
0xf: {  	[smem:$0x3FB3] =	sst s7  }
0x10: {  	[smem:$0x3FB4] =	sst s8  }
0x11: {  	[smem:$0x3FB5] =	sst s9;
	s0 =	simm.s32 @!p0 $0x0  }
0x12: {  	s1 =	sld [smem:$0x3F9B];
	s0 =	simm.s32 @p0 $0x1  }
0x13: {  	[smem:$0x3FB6] =	sst s0;
	s0 =	simm.s32 @!p1 $0x0  }
0x14: {  	s2 =	sld [smem:$0x3F9A];
	s0 =	simm.s32 @p1 $0x1  }
0x15: {  	[smem:$0x3FB7] =	sst s0;
	s0 =	simm.s32 @!p2 $0x0  }
0x16: {  	s3 =	sld [smem:$0x3FDB];
	s0 =	simm.s32 @p2 $0x1  }
0x17: {  	s4 =	simm.s32 $0x1BF5;
	[smem:$0x3FB9] =	sst s0  }
0x18: {  	s0 =	sld [smem:$0x3F9C];
	_ =	swait.ge [sflag:s4], $0x0  }
0x19: {  	s7 =	sld [smem:$0x3F9D]  }
0x1a: {  	s8 =	sadd.s32 $0xFFFFE003, lr  }
0x1b: {  	s9 =	sadd.s32 $0xFFFFFEF7, lr;
	s5 =	simm.s32 $0xFFFFFFFF;
	p2 =	slt.u32 s8, $0xFFFFF086  }
0x1c: {  	p1 =	slt.u32 s9, $0xF7A;
	s5 =	simm.s32 @!p2 $0x0  }
0x1d: {  	s5 =	simm.s32 @p1 $0x1;
	p0 =	seq.s32 s7, s2  }
0x1e: {  	s7 =	smul.u32 @!p0 $0xF7A, s2;
	p2 =	seq.s32 @!p0 s5, $0x0  }
0x1f: {  	s9 =	smul.u32 $0xF7A, s1;
	s8 =	simm.s32 @!p0 $0x1BF5;
	p2 =	por !p2, p0  }
0x20: {  	[sflag:s8] =	ssyncset.s32 @!p0 $0xFFFFF086;
	s6 =	sadd.s32 @!p0 s3, s7;
	s7 =	simm.s32 @!p0 $0x108  }
0x21: {  	s3 =	sadd.s32 s3, s9;
	s6 =	sadd.s32 @!p0 $0x88, s6;
	s7 =	simm.s32 @p2 $0x1082  }
0x22: {  	[simem:s7], [sflag:s8] =	dma.local @!p0 [hbm:s6], $0xF7A  }
0x23: {  	s9 =	sor.u32 $0xD0000000, s2;
	s6 =	simm.s32 $0x108;
	_ =	swait.ge @!p0 [sflag:s8], $0x0  }
0x24: {  	s3 =	sadd.s32 $0x88, s3;
	s6 =	simm.s32 @!p1 $0x1082;
	[sflag:s4] =	ssyncset.s32 $0xFFFFF086  }
0x25: {  	[simem:s6], [sflag:s4] =	dma.local [hbm:s3], $0xF7A  }
0x26: {  	[smem:$0x3F9D] =	sst s1;
	(tag) =	ssettag s2;
	_ =	strace s9  }
0x27: {  	s1 =	sld [smem:$0x3FAD]  }
0x28: {  	s2 =	sld [smem:$0x3FAE]  }
0x29: {  	s4 =	sld [smem:$0x3FB0]  }
0x2a: {  	p0 =	seq.s32 s5, $0x0;
	s5 =	sld [smem:$0x3FB1]  }
0x2b: {  	s6 =	sld [smem:$0x3FB2]  }
0x2c: {  	s7 =	sld [smem:$0x3FB3]  }
0x2d: {  	s3 =	simm.s32 $0x108;
	s8 =	sld [smem:$0x3FB4]  }
0x2e: {  	s3 =	simm.s32 @!p0 $0x1082;
	s9 =	sld [smem:$0x3FB5]  }
0x2f: {  	lr =	sadd.s32 s0, s3;
	s0 =	sld [smem:$0x3FAC]  }
0x30: {  	s3 =	sld [smem:$0x3FAF]  }
0x31: {  	[smem:$0x3FB8] =	sst s10  }
0x32: {  	s10 =	sld [smem:$0x3FB6];
	_ =	sdelay $0x3  }
0x33: {  	p0 =	seq.s32 s10, $0x1;
	s10 =	sld [smem:$0x3FB8];
	_ =	sdelay $0x3  }
0x34: {  	[smem:$0x3FB8] =	sst s10  }
0x35: {  	s10 =	sld [smem:$0x3FB7];
	_ =	sdelay $0x3  }
0x36: {  	p1 =	seq.s32 s10, $0x1;
	s10 =	sld [smem:$0x3FB8];
	_ =	sdelay $0x3  }
0x37: {  	[smem:$0x3FB8] =	sst s10  }
0x38: {  	s10 =	sld [smem:$0x3FB9]  }
0x39: {  	_ = 	snop;
	(pc) =	sbr.ind lr, $3  }
0x3a: {  	_ = 	snop  }
0x3b: {  	_ = 	snop  }
0x3c: {  	p2 =	seq.s32 s10, $0x1;
	s10 =	sld [smem:$0x3FB8]  }
0x3d: {  	_ =	shalt  }
0x3e: {  	_ =	shalt  }
0x3f: {  	_ =	shalt  }
0x40: {  	_ =	shalt  }
0x41: {  	_ =	shalt  }
0x42: {  	_ =	shalt  }
0x43: {  	_ =	shalt  }
0x44: {  	_ =	shalt  }
0x45: {  	_ =	shalt  }
0x46: {  	_ =	shalt  }
0x47: {  	_ =	shalt  }
0x48: {  	_ =	shalt  }
0x49: {  	_ =	shalt  }
0x4a: {  	_ =	shalt  }
0x4b: {  	_ =	shalt  }
0x4c: {  	_ =	shalt  }
0x4d: {  	_ =	shalt  }
0x4e: {  	_ =	shalt  }
0x4f: {  	_ =	shalt  }
0x50: {  	_ =	shalt  }
0x51: {  	_ =	shalt  }
0x52: {  	_ =	shalt  }
0x53: {  	_ =	shalt  }
0x54: {  	_ =	shalt  }
0x55: {  	_ =	shalt  }
0x56: {  	_ =	shalt  }
0x57: {  	_ =	shalt  }
0x58: {  	_ =	shalt  }
0x59: {  	_ =	shalt  }
0x5a: {  	_ =	shalt  }
0x5b: {  	_ =	shalt  }
0x5c: {  	_ =	shalt  }
0x5d: {  	_ =	shalt  }
0x5e: {  	_ =	shalt  }
0x5f: {  	_ =	shalt  }
0x60: {  	_ =	shalt  }
0x61: {  	_ =	shalt  }
0x62: {  	_ =	shalt  }
0x63: {  	_ =	shalt  }
0x64: {  	_ =	shalt  }
0x65: {  	_ =	shalt  }
0x66: {  	_ =	shalt  }
0x67: {  	_ =	shalt  }
0x68: {  	_ =	shalt  }
0x69: {  	_ =	shalt  }
0x6a: {  	_ =	shalt  }
0x6b: {  	_ =	shalt  }
0x6c: {  	_ =	shalt  }
0x6d: {  	_ =	shalt  }
0x6e: {  	_ =	shalt  }
0x6f: {  	_ =	shalt  }
0x70: {  	_ =	shalt  }
0x71: {  	_ =	shalt  }
0x72: {  	_ =	shalt  }
0x73: {  	_ =	shalt  }
0x74: {  	_ =	shalt  }
0x75: {  	_ =	shalt  }
0x76: {  	_ =	shalt  }
0x77: {  	_ =	shalt  }
0x78: {  	_ =	shalt  }
0x79: {  	_ =	shalt  }
0x7a: {  	_ =	shalt  }
0x7b: {  	_ =	shalt  }
0x7c: {  	_ =	shalt  }
0x7d: {  	_ =	shalt  }
0x7e: {  	_ =	shalt  }
0x7f: {  	_ =	shalt  }
0x80: {  	_ =	shalt  }
0x81: {  	_ =	shalt  }
0x82: {  	_ =	shalt  }
0x83: {  	_ =	shalt  }
0x84: {  	_ =	shalt  }
0x85: {  	_ =	shalt  }
0x86: {  	_ =	shalt  }
0x87: {  	_ =	shalt  }
.Lfunc_end0:
.L_simem_size_0:
called_computation_lowered:
.L_overlay_start_0:
0x88: {  	s2 =	sld [smem:$0x3FD9]  }
0x89: {  	s3 =	sld [smem:$0x3FFE];
	_ =	sdelay $0x1  }
0x8a: {  	s1 =	srdreg.scid  }
0x8b: {  	s0 =	sand.u32 $0x1, s1  }
0x8c: {  	s17 =	sshll.u32 s0, $0xA;
	s2 =	sadd.s32 s3, s2  }
0x8d: {  	s2 =	sadd.s32 s2, s17  }
0x8e: {  	[smem:$0x3FC4] =	sst s2  }
0x8f: {  	_ = 	snop  }
0x90: {  	s2 =	sld [smem:$0x3FC8]  }
0x91: {  	s18 =	sld [smem:$0x3FD0];
	(tm) =	ssettm $0x1  }
0x92: {  	s4 =	sld [smem:$0x3FFB];
	_ =	sdelay $0x3  }
0x93: {  	_ =	strace s4  }
0x94: {  	s4 =	sld [smem:$0x3FFC];
	_ =	sdelay $0x3  }
0x95: {  	_ =	strace s4  }
0x96: {  	s4 =	sld [smem:$0x3FFD];
	_ =	sdelay $0x3  }
0x97: {  	_ =	strace s4  }
0x98: {  	_ =	strace $0x8FFFFFFF  }
0x99: {  	s19 =	sld [smem:$0x3FDB];
	_ =	sdelay $0x1  }
0x9a: {  	s5 =	simm.s32 $_scs_section_size  }
0x9b: {  	s6 =	simm.s32 $_size__tile_overlayer_lowered;
	s7 =	simm.s32 $_tile_overlayer_lowered  }
0x9c: {  	s22 =	simm.s32 $0x1BFF;
	s21 =	sshll.u32 s7, $0x1;
	s4 =	sadd.s32 s5, s19  }
0x9d: {  	s8 =	simm.s32 $0x0;
	s20 =	sshll.u32 s6, $0x1;
	s6 =	sadd.s32 s21, s4  }
0x9e: {  	[timem:s8], [sflag:s22] =	dma.local [hbm:s6], s20  }
0x9f: {  	_ =	swait.ge [sflag:s22], s20  }
0xa0: {  	s5 =	ssub.s32 $0x0, s20;
	[sflag:s22] =	ssyncset.done $0x0  }
0xa1: {  	[sflag:s22] =	ssyncadd.s32 s5;
	_ =	sdelay $0x1  }
0xa2: {  	s23 =	simm.s32 $0x1B8B  }
0xa3: {  	_ =	swait.ge [sflag:s23], $0x1  }
0xa4: {  	[sflag:s23] =	ssyncset.done $0x0  }
0xa5: {  	s25 =	simm.s32 $0x1B8E;
	s24 =	sld [smem:$0x3FFE];
	[sflag:s23] =	ssyncadd.s32 $0xFFFFFFFF  }
0xa6: {  	s26 =	simm.s32 $execute0_lowered;
	[smem:$0x3FD2] =	sst s25  }
0xa7: {  	s6 =	sshll.u32 s26, $0x1;
	_ =	strace $0x80000046;
	[dreg:$0x1] =	wrdreg $0xFFFFFFFF  }
0xa8: {  	s28 =	simm.s32 $_size_execute0_lowered;
	s4 =	sadd.s32 s4, s6;
	[dreg:$0x0] =	wrdreg $0x0  }
0xa9: {  	s6 =	sshll.u32 s28, $0x1;
	[dreg:$0x2] =	wrdreg s4  }
0xaa: {  	[dreg:$0x3] =	wrdreg s6  }
0xab: {  	[dreg:$0x4] =	wrdreg $0xC0  }
0xac: {  	_ =	task [dreg:s8], $0x5FFFF  }
0xad: {  	[dreg:$0x1] =	wrdreg $0xFFFFFFFF  }
0xae: {  	[dreg:$0x0] =	wrdreg $0x60  }
0xaf: {  	[dreg:$0x2] =	wrdreg s2  }
0xb0: {  	[dreg:$0x3] =	wrdreg s24  }
0xb1: {  	[dreg:$0x4] =	wrdreg s18  }
0xb2: {  	[dreg:$0x5] =	wrdreg $0x9  }
0xb3: {  	_ =	task.clear_ibuf [dreg:s8], $0x6FFFF;
	_ =	strace $0x90000046  }
0xb4: {  	s29 =	simm.s32 $0x9;
	_ =	strace $0x80000048  }
0xb5: {  	_ =	swait.ge [sflag:s29], $0x1  }
0xb6: {  	[sflag:s29] =	ssyncadd.s32 $0xFFFFFFFF  }
0xb7: {  	_ =	strace $0x90000048  }
0xb8: {  	_ =	sfence  }
0xb9: {  	s30 =	sld [smem:$0x0];
	_ =	sdelay $0x2  }
0xba: {  	s31 =	sshll.u32 s1, $0xD;
	s1 =	sshrl.u32 s1, $0x2  }
0xbb: {  	s3 =	sand.u32 $0x4000, s31;
	s1 =	sadd.s32 s1, s30  }
0xbc: {  	s0 =	sor.u32 s3, s0;
	s1 =	sshll.u32 s1, $0x11  }
0xbd: {  	s0 =	sor.u32 s1, s0  }
0xbe: {  	s0 =	sadd.s32 $0x8F2B, s0  }
0xbf: {  	[sflag:s0] =	ssyncadd.remote.s32 $0x1  }
0xc0: {  	_ =	sfence.sel $0xFFFF  }
0xc1: {  	[dreg:$0x0] =	wrdreg $0xFFFFFFFF;
	(pc) =	sbr.abs _section_cstart, $3  }
0xc2: {  	[dreg:$0x1] =	wrdreg $0xFFFFFFFF  }
0xc3: {  	_ =	task.clear_ibuf [dreg:s8], $0x2FFFF;
	_ =	strace $0x9FFFFFFF  }
0xc4: {  	(tm) =	ssettm $0x7FFFFFFF  }
0xc5: {  	_ =	shalt  }
tec
execute0_lowered:
.L_overlay_start_1:
0x0: {  	(tag) =	ssettag $0x1  }
0x1: {  	s1 =	srdreg.scid;
	s0 =	stileid.u32  }
0x2: {  	s2 =	rddreg [dreg:$0x0];
	s29 =	sand.u32 $0x1, s1;
	s31 =	sshll.u32 s0, $0x1  }
0x3: {  	s4 =	rddreg [dreg:$0x1];
	s14 =	sor.u32 s29, s31  }
0x4: {  	s15 =	rddreg [dreg:$0x2];
	s5 =	smul.u32 $0xA0, s14  }
0x5: {  	s3 =	simm.s32 $0x0;
	s1 =	rddreg [dreg:$0x3]  }
0x6: {  	[smem:$0x7FF] =	sst s3;
	s4 =	sadd.s32 s5, s4  }
0x7: {  	_ =	strace $0x80000047;
	s5 =	sadd.s32 $0x1000, s4;
	s4 =	simm.s32 $0x3  }
0x8: {  	[tilespmem:s3], [sflag:$0x3] =	stream.linear.gather [hbm4b:s5+s3], $0x500, $0x38;
	[tilespmem:$0x8500] =	vst v63  }
0x9: {  	_ =	swait.ge [sflag:s4], $0x500  }
0xa: {  	[sflag:s4] =	ssyncset.done $0x0  }
0xb: {  	s6 =	simm.s32 $0x80;
	s7 =	simm.s32 $0x500;
	[sflag:s4] =	ssyncadd.s32 $0xFFFFFB00  }
0xc: {  	[tilespmem:s7], [sflag:$0x1] =	stream.indirect.gather [hbm4b:s2+s6], $0x80, s3, s6, $0xb8;
	[tilespmem:$0x8500] =	vst v63  }
0xd: {  	s8 =	simm.s32 $0x4500;
	s9 =	simm.s32 $0x1  }
0xe: {  	[tilespmem:s8], [sflag:$0x2] =	stream.indirect.gather [hbm4b:s2+s6], $0x80, s6, s6, $0xb8;
	[tilespmem:$0x8500] =	vst v63  }
0xf: {  	s10 =	smul.u32 $0x5000, s14;
	_ =	swait.ge [sflag:s9], $0x4000  }
0x10: {  	[sflag:s9] =	ssyncset.done $0x0  }
0x11: {  	s10 =	sadd.s32 s15, s10;
	[sflag:s9] =	ssyncadd.s32 $0xFFFFC000  }
0x12: {  	[hbm4b:s10+s3] =	stream.linear.scatter [tilespmem:s7], [sflag:$0x3], $0x4000, $0x38;
	[tilespmem:$0x8500] =	vst v63  }
0x13: {  	_ =	swait.ge [sflag:s4], $0x4000  }
0x14: {  	[sflag:s4] =	ssyncset.done $0x0  }
0x15: {  	s11 =	simm.s32 $0x100;
	s12 =	simm.s32 $0x2;
	[sflag:s4] =	ssyncadd.s32 $0xFFFFC000  }
0x16: {  	[tilespmem:s7], [sflag:$0x1] =	stream.indirect.gather [hbm4b:s2+s6], $0x80, s11, s6, $0xb8;
	[tilespmem:$0x8500] =	vst v63  }
0x17: {  	_ =	swait.ge [sflag:s12], $0x4000  }
0x18: {  	[sflag:s12] =	ssyncset.done $0x0  }
0x19: {  	s13 =	sadd.s32 $0x800, s10;
	[sflag:s12] =	ssyncadd.s32 $0xFFFFC000  }
0x1a: {  	[hbm4b:s13+s3] =	stream.linear.scatter [tilespmem:s8], [sflag:$0x3], $0x4000, $0x38;
	[tilespmem:$0x8500] =	vst v63  }
0x1b: {  	_ =	swait.ge [sflag:s4], $0x4000  }
0x1c: {  	[sflag:s4] =	ssyncset.done $0x0  }
0x1d: {  	s16 =	smul.u32 $0x28000, s14;
	s14 =	simm.s32 $0x180;
	[sflag:s4] =	ssyncadd.s32 $0xFFFFC000  }
0x1e: {  	[tilespmem:s8], [sflag:$0x2] =	stream.indirect.gather [hbm4b:s2+s6], $0x80, s14, s6, $0xb8;
	[tilespmem:$0x8500] =	vst v63  }
0x1f: {  	s16 =	sshrl.u32 s16, $0x3;
	_ =	swait.ge [sflag:s9], $0x4000  }
0x20: {  	s30 =	sadd.s32 s15, s16;
	[sflag:s9] =	ssyncset.done $0x0  }
0x21: {  	s15 =	sadd.s32 $0x1000, s30;
	[sflag:s9] =	ssyncadd.s32 $0xFFFFC000  }
0x22: {  	[hbm4b:s15+s3] =	stream.linear.scatter [tilespmem:s7], [sflag:$0x3], $0x4000, $0x38;
	[tilespmem:$0x8500] =	vst v63  }
0x23: {  	_ =	swait.ge [sflag:s4], $0x4000  }
0x24: {  	[sflag:s4] =	ssyncset.done $0x0  }
0x25: {  	s16 =	simm.s32 $0x200;
	[sflag:s4] =	ssyncadd.s32 $0xFFFFC000  }
0x26: {  	[tilespmem:s7], [sflag:$0x1] =	stream.indirect.gather [hbm4b:s2+s6], $0x80, s16, s6, $0xb8;
	[tilespmem:$0x8500] =	vst v63  }
0x27: {  	_ =	swait.ge [sflag:s12], $0x4000  }
0x28: {  	[sflag:s12] =	ssyncset.done $0x0  }
0x29: {  	s17 =	sadd.s32 $0x1800, s30;
	[sflag:s12] =	ssyncadd.s32 $0xFFFFC000  }
0x2a: {  	[hbm4b:s17+s3] =	stream.linear.scatter [tilespmem:s8], [sflag:$0x3], $0x4000, $0x38;
	[tilespmem:$0x8500] =	vst v63  }
0x2b: {  	_ =	swait.ge [sflag:s4], $0x4000  }
0x2c: {  	[sflag:s4] =	ssyncset.done $0x0  }
0x2d: {  	s18 =	simm.s32 $0x280;
	[sflag:s4] =	ssyncadd.s32 $0xFFFFC000  }
0x2e: {  	[tilespmem:s8], [sflag:$0x2] =	stream.indirect.gather [hbm4b:s2+s6], $0x80, s18, s6, $0xb8;
	[tilespmem:$0x8500] =	vst v63  }
0x2f: {  	_ =	swait.ge [sflag:s9], $0x4000  }
0x30: {  	[sflag:s9] =	ssyncset.done $0x0  }
0x31: {  	s19 =	sadd.s32 $0x2000, s30;
	[sflag:s9] =	ssyncadd.s32 $0xFFFFC000  }
0x32: {  	[hbm4b:s19+s3] =	stream.linear.scatter [tilespmem:s7], [sflag:$0x3], $0x4000, $0x38;
	[tilespmem:$0x8500] =	vst v63  }
0x33: {  	_ =	swait.ge [sflag:s4], $0x4000  }
0x34: {  	[sflag:s4] =	ssyncset.done $0x0  }
0x35: {  	s20 =	simm.s32 $0x300;
	[sflag:s4] =	ssyncadd.s32 $0xFFFFC000  }
0x36: {  	[tilespmem:s7], [sflag:$0x1] =	stream.indirect.gather [hbm4b:s2+s6], $0x80, s20, s6, $0xb8;
	[tilespmem:$0x8500] =	vst v63  }
0x37: {  	_ =	swait.ge [sflag:s12], $0x4000  }
0x38: {  	[sflag:s12] =	ssyncset.done $0x0  }
0x39: {  	s21 =	sadd.s32 $0x2800, s30;
	[sflag:s12] =	ssyncadd.s32 $0xFFFFC000  }
0x3a: {  	[hbm4b:s21+s3] =	stream.linear.scatter [tilespmem:s8], [sflag:$0x3], $0x4000, $0x38;
	[tilespmem:$0x8500] =	vst v63  }
0x3b: {  	_ =	swait.ge [sflag:s4], $0x4000  }
0x3c: {  	[sflag:s4] =	ssyncset.done $0x0  }
0x3d: {  	s22 =	simm.s32 $0x380;
	[sflag:s4] =	ssyncadd.s32 $0xFFFFC000  }
0x3e: {  	[tilespmem:s8], [sflag:$0x2] =	stream.indirect.gather [hbm4b:s2+s6], $0x80, s22, s6, $0xb8;
	[tilespmem:$0x8500] =	vst v63  }
0x3f: {  	_ =	swait.ge [sflag:s9], $0x4000  }
0x40: {  	[sflag:s9] =	ssyncset.done $0x0  }
0x41: {  	s23 =	sadd.s32 $0x3000, s30;
	[sflag:s9] =	ssyncadd.s32 $0xFFFFC000  }
0x42: {  	[hbm4b:s23+s3] =	stream.linear.scatter [tilespmem:s7], [sflag:$0x3], $0x4000, $0x38;
	[tilespmem:$0x8500] =	vst v63  }
0x43: {  	_ =	swait.ge [sflag:s4], $0x4000  }
0x44: {  	[sflag:s4] =	ssyncset.done $0x0  }
0x45: {  	s24 =	simm.s32 $0x400;
	[sflag:s4] =	ssyncadd.s32 $0xFFFFC000  }
0x46: {  	[tilespmem:s7], [sflag:$0x1] =	stream.indirect.gather [hbm4b:s2+s6], $0x80, s24, s6, $0xb8;
	[tilespmem:$0x8500] =	vst v63  }
0x47: {  	_ =	swait.ge [sflag:s12], $0x4000  }
0x48: {  	[sflag:s12] =	ssyncset.done $0x0  }
0x49: {  	s25 =	sadd.s32 $0x3800, s30;
	[sflag:s12] =	ssyncadd.s32 $0xFFFFC000  }
0x4a: {  	[hbm4b:s25+s3] =	stream.linear.scatter [tilespmem:s8], [sflag:$0x3], $0x4000, $0x38;
	[tilespmem:$0x8500] =	vst v63  }
0x4b: {  	_ =	swait.ge [sflag:s4], $0x4000  }
0x4c: {  	[sflag:s4] =	ssyncset.done $0x0  }
0x4d: {  	s26 =	simm.s32 $0x480;
	[sflag:s4] =	ssyncadd.s32 $0xFFFFC000  }
0x4e: {  	[tilespmem:s8], [sflag:$0x2] =	stream.indirect.gather [hbm4b:s2+s6], $0x80, s26, s6, $0xb8;
	[tilespmem:$0x8500] =	vst v63  }
0x4f: {  	_ =	swait.ge [sflag:s9], $0x4000  }
0x50: {  	[sflag:s9] =	ssyncset.done $0x0  }
0x51: {  	s29 =	ssub.s32 $0x2, s29;
	s28 =	sadd.s32 $0x4000, s30;
	[sflag:s9] =	ssyncadd.s32 $0xFFFFC000  }
0x52: {  	[hbm4b:s28+s3] =	stream.linear.scatter [tilespmem:s7], [sflag:$0x3], $0x4000, $0x38;
	[tilespmem:$0x8500] =	vst v63  }
0x53: {  	s31 =	sshrl.u32 s29, $0x1;
	_ =	swait.ge [sflag:s4], $0x4000  }
0x54: {  	s31 =	ssub.s32 s29, s31;
	[sflag:s4] =	ssyncset.done $0x0  }
0x55: {  	s29 =	sadd.s32 $0x4800, s30;
	s30 =	smax.u32 s31, $0x1;
	[sflag:s4] =	ssyncadd.s32 $0xFFFFC000  }
0x56: {  	p0 =	sne.s32 s30, $0x1;
	_ =	swait.ge [sflag:s12], $0x4000  }
.Ltmp0:
0x57: {  	[sflag:s12] =	ssyncset.done $0x0;
	(pc) =	sbr.rel @!p0 .LBB2_2-.Ltmp0, $4  }
0x58: {  	[sflag:s12] =	ssyncadd.s32 $0xFFFFC000  }
0x59: {  	[hbm4b:s29+s3] =	stream.linear.scatter [tilespmem:s8], [sflag:$0x3], $0x4000, $0x38;
	[tilespmem:$0x8500] =	vst v63  }
0x5a: {  	_ =	swait.ge [sflag:s4], $0x4000  }
0x5b: {  	s30 =	sadd.s32 $0xFFFFFFFF, s30;
	[sflag:s4] =	ssyncset.done $0x0  }
.LBB2_1:
0x5c: {  	p0 =	sne.s32 s30, $0x1;
	s30 =	sadd.s32 $0xFFFFFFFF, s30;
	[sflag:s4] =	ssyncadd.s32 $0xFFFFC000  }
0x5d: {  	[tilespmem:s3], [sflag:$0x3] =	stream.linear.gather [hbm4b:s5+s3], $0x500, $0x38;
	[tilespmem:$0x8500] =	vst v63  }
0x5e: {  	_ =	swait.ge [sflag:s4], $0x500  }
0x5f: {  	[sflag:s4] =	ssyncset.done $0x0  }
0x60: {  	[sflag:s4] =	ssyncadd.s32 $0xFFFFFB00  }
0x61: {  	[tilespmem:s7], [sflag:$0x1] =	stream.indirect.gather [hbm4b:s2+s6], $0x80, s3, s6, $0xb8;
	[tilespmem:$0x8500] =	vst v63  }
0x62: {  	_ = 	snop  }
0x63: {  	[tilespmem:s8], [sflag:$0x2] =	stream.indirect.gather [hbm4b:s2+s6], $0x80, s6, s6, $0xb8;
	[tilespmem:$0x8500] =	vst v63  }
0x64: {  	_ =	swait.ge [sflag:s9], $0x4000  }
0x65: {  	[sflag:s9] =	ssyncset.done $0x0  }
0x66: {  	[sflag:s9] =	ssyncadd.s32 $0xFFFFC000  }
0x67: {  	[hbm4b:s10+s3] =	stream.linear.scatter [tilespmem:s7], [sflag:$0x3], $0x4000, $0x38;
	[tilespmem:$0x8500] =	vst v63  }
0x68: {  	_ =	swait.ge [sflag:s4], $0x4000  }
0x69: {  	[sflag:s4] =	ssyncset.done $0x0  }
0x6a: {  	[sflag:s4] =	ssyncadd.s32 $0xFFFFC000  }
0x6b: {  	[tilespmem:s7], [sflag:$0x1] =	stream.indirect.gather [hbm4b:s2+s6], $0x80, s11, s6, $0xb8;
	[tilespmem:$0x8500] =	vst v63  }
0x6c: {  	_ =	swait.ge [sflag:s12], $0x4000  }
0x6d: {  	[sflag:s12] =	ssyncset.done $0x0  }
0x6e: {  	[sflag:s12] =	ssyncadd.s32 $0xFFFFC000  }
0x6f: {  	[hbm4b:s13+s3] =	stream.linear.scatter [tilespmem:s8], [sflag:$0x3], $0x4000, $0x38;
	[tilespmem:$0x8500] =	vst v63  }
0x70: {  	_ =	swait.ge [sflag:s4], $0x4000  }
0x71: {  	[sflag:s4] =	ssyncset.done $0x0  }
0x72: {  	[sflag:s4] =	ssyncadd.s32 $0xFFFFC000  }
0x73: {  	[tilespmem:s8], [sflag:$0x2] =	stream.indirect.gather [hbm4b:s2+s6], $0x80, s14, s6, $0xb8;
	[tilespmem:$0x8500] =	vst v63  }
0x74: {  	_ =	swait.ge [sflag:s9], $0x4000  }
0x75: {  	[sflag:s9] =	ssyncset.done $0x0  }
0x76: {  	[sflag:s9] =	ssyncadd.s32 $0xFFFFC000  }
0x77: {  	[hbm4b:s15+s3] =	stream.linear.scatter [tilespmem:s7], [sflag:$0x3], $0x4000, $0x38;
	[tilespmem:$0x8500] =	vst v63  }
0x78: {  	_ =	swait.ge [sflag:s4], $0x4000  }
0x79: {  	[sflag:s4] =	ssyncset.done $0x0  }
0x7a: {  	[sflag:s4] =	ssyncadd.s32 $0xFFFFC000  }
0x7b: {  	[tilespmem:s7], [sflag:$0x1] =	stream.indirect.gather [hbm4b:s2+s6], $0x80, s16, s6, $0xb8;
	[tilespmem:$0x8500] =	vst v63  }
0x7c: {  	_ =	swait.ge [sflag:s12], $0x4000  }
0x7d: {  	[sflag:s12] =	ssyncset.done $0x0  }
0x7e: {  	[sflag:s12] =	ssyncadd.s32 $0xFFFFC000  }
0x7f: {  	[hbm4b:s17+s3] =	stream.linear.scatter [tilespmem:s8], [sflag:$0x3], $0x4000, $0x38;
	[tilespmem:$0x8500] =	vst v63  }
0x80: {  	_ =	swait.ge [sflag:s4], $0x4000  }
0x81: {  	[sflag:s4] =	ssyncset.done $0x0  }
0x82: {  	[sflag:s4] =	ssyncadd.s32 $0xFFFFC000  }
0x83: {  	[tilespmem:s8], [sflag:$0x2] =	stream.indirect.gather [hbm4b:s2+s6], $0x80, s18, s6, $0xb8;
	[tilespmem:$0x8500] =	vst v63  }
0x84: {  	_ =	swait.ge [sflag:s9], $0x4000  }
0x85: {  	[sflag:s9] =	ssyncset.done $0x0  }
0x86: {  	[sflag:s9] =	ssyncadd.s32 $0xFFFFC000  }
0x87: {  	[hbm4b:s19+s3] =	stream.linear.scatter [tilespmem:s7], [sflag:$0x3], $0x4000, $0x38;
	[tilespmem:$0x8500] =	vst v63  }
0x88: {  	_ =	swait.ge [sflag:s4], $0x4000  }
0x89: {  	[sflag:s4] =	ssyncset.done $0x0  }
0x8a: {  	[sflag:s4] =	ssyncadd.s32 $0xFFFFC000  }
0x8b: {  	[tilespmem:s7], [sflag:$0x1] =	stream.indirect.gather [hbm4b:s2+s6], $0x80, s20, s6, $0xb8;
	[tilespmem:$0x8500] =	vst v63  }
0x8c: {  	_ =	swait.ge [sflag:s12], $0x4000  }
0x8d: {  	[sflag:s12] =	ssyncset.done $0x0  }
0x8e: {  	[sflag:s12] =	ssyncadd.s32 $0xFFFFC000  }
0x8f: {  	[hbm4b:s21+s3] =	stream.linear.scatter [tilespmem:s8], [sflag:$0x3], $0x4000, $0x38;
	[tilespmem:$0x8500] =	vst v63  }
0x90: {  	_ =	swait.ge [sflag:s4], $0x4000  }
0x91: {  	[sflag:s4] =	ssyncset.done $0x0  }
0x92: {  	[sflag:s4] =	ssyncadd.s32 $0xFFFFC000  }
0x93: {  	[tilespmem:s8], [sflag:$0x2] =	stream.indirect.gather [hbm4b:s2+s6], $0x80, s22, s6, $0xb8;
	[tilespmem:$0x8500] =	vst v63  }
0x94: {  	_ =	swait.ge [sflag:s9], $0x4000  }
0x95: {  	[sflag:s9] =	ssyncset.done $0x0  }
0x96: {  	[sflag:s9] =	ssyncadd.s32 $0xFFFFC000  }
0x97: {  	[hbm4b:s23+s3] =	stream.linear.scatter [tilespmem:s7], [sflag:$0x3], $0x4000, $0x38;
	[tilespmem:$0x8500] =	vst v63  }
0x98: {  	_ =	swait.ge [sflag:s4], $0x4000  }
0x99: {  	[sflag:s4] =	ssyncset.done $0x0  }
0x9a: {  	[sflag:s4] =	ssyncadd.s32 $0xFFFFC000  }
0x9b: {  	[tilespmem:s7], [sflag:$0x1] =	stream.indirect.gather [hbm4b:s2+s6], $0x80, s24, s6, $0xb8;
	[tilespmem:$0x8500] =	vst v63  }
0x9c: {  	_ =	swait.ge [sflag:s12], $0x4000  }
0x9d: {  	[sflag:s12] =	ssyncset.done $0x0  }
0x9e: {  	[sflag:s12] =	ssyncadd.s32 $0xFFFFC000  }
0x9f: {  	[hbm4b:s25+s3] =	stream.linear.scatter [tilespmem:s8], [sflag:$0x3], $0x4000, $0x38;
	[tilespmem:$0x8500] =	vst v63  }
0xa0: {  	_ =	swait.ge [sflag:s4], $0x4000  }
0xa1: {  	[sflag:s4] =	ssyncset.done $0x0  }
0xa2: {  	[sflag:s4] =	ssyncadd.s32 $0xFFFFC000  }
0xa3: {  	[tilespmem:s8], [sflag:$0x2] =	stream.indirect.gather [hbm4b:s2+s6], $0x80, s26, s6, $0xb8;
	[tilespmem:$0x8500] =	vst v63  }
0xa4: {  	_ =	swait.ge [sflag:s9], $0x4000  }
0xa5: {  	[sflag:s9] =	ssyncset.done $0x0  }
0xa6: {  	[sflag:s9] =	ssyncadd.s32 $0xFFFFC000  }
0xa7: {  	[hbm4b:s28+s3] =	stream.linear.scatter [tilespmem:s7], [sflag:$0x3], $0x4000, $0x38;
	[tilespmem:$0x8500] =	vst v63  }
0xa8: {  	_ =	swait.ge [sflag:s4], $0x4000  }
0xa9: {  	[sflag:s4] =	ssyncset.done $0x0  }
0xaa: {  	[sflag:s4] =	ssyncadd.s32 $0xFFFFC000  }
0xab: {  	_ =	swait.ge [sflag:s12], $0x4000  }
.Ltmp1:
0xac: {  	[sflag:s12] =	ssyncset.done $0x0;
	(pc) =	sbr.rel @p0 .LBB2_1-.Ltmp1, $4  }
0xad: {  	[sflag:s12] =	ssyncadd.s32 $0xFFFFC000  }
0xae: {  	[hbm4b:s29+s3] =	stream.linear.scatter [tilespmem:s8], [sflag:$0x3], $0x4000, $0x38;
	[tilespmem:$0x8500] =	vst v63  }
0xaf: {  	_ =	swait.ge [sflag:s4], $0x4000  }
0xb0: {  	[sflag:s4] =	ssyncset.done $0x0  }
.LBB2_2:
0xb1: {  	[sflag:s4] =	ssyncadd.s32 $0xFFFFC000  }
0xb2: {  	_ =	sfence.sel $0x180000  }
0xb3: {  	[bflag:$0x0] =	sbarrier.arrive $0xFFFF  }
0xb4: {  	p0 =	sne.s32 s0, $0x0;
	_ =	strace $0x90000047  }
0xb5: {  	s0 =	sadd.s32 @!p0 $0x100000, s1;
	[bflag:$0x2] =	sbarrier.arrive $0xFFFF  }
0xb6: {  	[sflag:s0] =	ssyncadd.tile.s32 @!p0 $0x1;
	_ =	shalt  }
.Lfunc_end2:
_tile_overlayer_lowered:
.L_overlay_start_2:
0xb7: {  	(tag) =	ssettag $0x2  }
0xb8: {  	s0 =	rddreg [dreg:$0x0];
	s2 =	stileid.u32  }
0xb9: {  	s1 =	rddreg [dreg:$0x1];
	p0 =	sne.s32 s2, $0x0  }
0xba: {  	s3 =	rddreg [dreg:$0x2];
	[bflag:$0x3] =	sbarrier.arrive $0xFFFF;
	s2 =	simm.s32 @!p0 $0x1C03  }
0xbb: {  	[timem:s3], [sflag:s2] =	dma.local @!p0 [hbm:s0], s1  }
0xbc: {  	s0 =	simm.s32 @!p0 $0x3  }
0xbd: {  	_ =	swait.ge @!p0 [sflag:s0], s1  }
0xbe: {  	s1 =	ssub.s32 @!p0 $0x0, s1;
	[sflag:s0] =	ssyncset.done @!p0 $0x0  }
0xbf: {  	[sflag:s0] =	ssyncadd.s32 @!p0 s1  }
0xc0: {  	[bflag:$0x3] =	sbarrier.arrive $0xFFFF  }
0xc1: {  	_ =	shalt  }

// kernel: kernel.9.cloned.1.call-start
scs
__scs_entry_jumppad:
0x0: {  	(pc) =	sbr.rel $0x88, $3  }
0x1: {  	(tag) =	ssettag $0x0;
	lr =	simm.s32 $0x1  }
0x2: {  	[smem:$0x3F9D] =	sst lr;
	_ =	strace $0xD0000000  }
0x3: {  	_ = 	snop  }
0x4: {  	_ = 	snop  }
0x5: {  	_ = 	snop  }
0x6: {  	_ = 	snop  }
0x7: {  	_ = 	snop  }
__scs_overlays_trampoline_lowered:
0x8: {  	[smem:$0x3FAC] =	sst s0  }
0x9: {  	[smem:$0x3FAD] =	sst s1  }
0xa: {  	[smem:$0x3FAE] =	sst s2  }
0xb: {  	[smem:$0x3FAF] =	sst s3  }
0xc: {  	[smem:$0x3FB0] =	sst s4  }
0xd: {  	[smem:$0x3FB1] =	sst s5  }
0xe: {  	[smem:$0x3FB2] =	sst s6  }
0xf: {  	[smem:$0x3FB3] =	sst s7  }
0x10: {  	[smem:$0x3FB4] =	sst s8  }
0x11: {  	[smem:$0x3FB5] =	sst s9;
	s0 =	simm.s32 @!p0 $0x0  }
0x12: {  	s1 =	sld [smem:$0x3F9B];
	s0 =	simm.s32 @p0 $0x1  }
0x13: {  	[smem:$0x3FB6] =	sst s0;
	s0 =	simm.s32 @!p1 $0x0  }
0x14: {  	s2 =	sld [smem:$0x3F9A];
	s0 =	simm.s32 @p1 $0x1  }
0x15: {  	[smem:$0x3FB7] =	sst s0;
	s0 =	simm.s32 @!p2 $0x0  }
0x16: {  	s3 =	sld [smem:$0x3FDB];
	s0 =	simm.s32 @p2 $0x1  }
0x17: {  	s4 =	simm.s32 $0x1BF5;
	[smem:$0x3FB9] =	sst s0  }
0x18: {  	s0 =	sld [smem:$0x3F9C];
	_ =	swait.ge [sflag:s4], $0x0  }
0x19: {  	s7 =	sld [smem:$0x3F9D]  }
0x1a: {  	s8 =	sadd.s32 $0xFFFFE003, lr  }
0x1b: {  	s9 =	sadd.s32 $0xFFFFFEF7, lr;
	s5 =	simm.s32 $0xFFFFFFFF;
	p2 =	slt.u32 s8, $0xFFFFF086  }
0x1c: {  	p1 =	slt.u32 s9, $0xF7A;
	s5 =	simm.s32 @!p2 $0x0  }
0x1d: {  	s5 =	simm.s32 @p1 $0x1;
	p0 =	seq.s32 s7, s2  }
0x1e: {  	s7 =	smul.u32 @!p0 $0xF7A, s2;
	p2 =	seq.s32 @!p0 s5, $0x0  }
0x1f: {  	s9 =	smul.u32 $0xF7A, s1;
	s8 =	simm.s32 @!p0 $0x1BF5;
	p2 =	por !p2, p0  }
0x20: {  	[sflag:s8] =	ssyncset.s32 @!p0 $0xFFFFF086;
	s6 =	sadd.s32 @!p0 s3, s7;
	s7 =	simm.s32 @!p0 $0x108  }
0x21: {  	s3 =	sadd.s32 s3, s9;
	s6 =	sadd.s32 @!p0 $0x88, s6;
	s7 =	simm.s32 @p2 $0x1082  }
0x22: {  	[simem:s7], [sflag:s8] =	dma.local @!p0 [hbm:s6], $0xF7A  }
0x23: {  	s9 =	sor.u32 $0xD0000000, s2;
	s6 =	simm.s32 $0x108;
	_ =	swait.ge @!p0 [sflag:s8], $0x0  }
0x24: {  	s3 =	sadd.s32 $0x88, s3;
	s6 =	simm.s32 @!p1 $0x1082;
	[sflag:s4] =	ssyncset.s32 $0xFFFFF086  }
0x25: {  	[simem:s6], [sflag:s4] =	dma.local [hbm:s3], $0xF7A  }
0x26: {  	[smem:$0x3F9D] =	sst s1;
	(tag) =	ssettag s2;
	_ =	strace s9  }
0x27: {  	s1 =	sld [smem:$0x3FAD]  }
0x28: {  	s2 =	sld [smem:$0x3FAE]  }
0x29: {  	s4 =	sld [smem:$0x3FB0]  }
0x2a: {  	p0 =	seq.s32 s5, $0x0;
	s5 =	sld [smem:$0x3FB1]  }
0x2b: {  	s6 =	sld [smem:$0x3FB2]  }
0x2c: {  	s7 =	sld [smem:$0x3FB3]  }
0x2d: {  	s3 =	simm.s32 $0x108;
	s8 =	sld [smem:$0x3FB4]  }
0x2e: {  	s3 =	simm.s32 @!p0 $0x1082;
	s9 =	sld [smem:$0x3FB5]  }
0x2f: {  	lr =	sadd.s32 s0, s3;
	s0 =	sld [smem:$0x3FAC]  }
0x30: {  	s3 =	sld [smem:$0x3FAF]  }
0x31: {  	[smem:$0x3FB8] =	sst s10  }
0x32: {  	s10 =	sld [smem:$0x3FB6];
	_ =	sdelay $0x3  }
0x33: {  	p0 =	seq.s32 s10, $0x1;
	s10 =	sld [smem:$0x3FB8];
	_ =	sdelay $0x3  }
0x34: {  	[smem:$0x3FB8] =	sst s10  }
0x35: {  	s10 =	sld [smem:$0x3FB7];
	_ =	sdelay $0x3  }
0x36: {  	p1 =	seq.s32 s10, $0x1;
	s10 =	sld [smem:$0x3FB8];
	_ =	sdelay $0x3  }
0x37: {  	[smem:$0x3FB8] =	sst s10  }
0x38: {  	s10 =	sld [smem:$0x3FB9]  }
0x39: {  	_ = 	snop;
	(pc) =	sbr.ind lr, $3  }
0x3a: {  	_ = 	snop  }
0x3b: {  	_ = 	snop  }
0x3c: {  	p2 =	seq.s32 s10, $0x1;
	s10 =	sld [smem:$0x3FB8]  }
0x3d: {  	_ =	shalt  }
0x3e: {  	_ =	shalt  }
0x3f: {  	_ =	shalt  }
0x40: {  	_ =	shalt  }
0x41: {  	_ =	shalt  }
0x42: {  	_ =	shalt  }
0x43: {  	_ =	shalt  }
0x44: {  	_ =	shalt  }
0x45: {  	_ =	shalt  }
0x46: {  	_ =	shalt  }
0x47: {  	_ =	shalt  }
0x48: {  	_ =	shalt  }
0x49: {  	_ =	shalt  }
0x4a: {  	_ =	shalt  }
0x4b: {  	_ =	shalt  }
0x4c: {  	_ =	shalt  }
0x4d: {  	_ =	shalt  }
0x4e: {  	_ =	shalt  }
0x4f: {  	_ =	shalt  }
0x50: {  	_ =	shalt  }
0x51: {  	_ =	shalt  }
0x52: {  	_ =	shalt  }
0x53: {  	_ =	shalt  }
0x54: {  	_ =	shalt  }
0x55: {  	_ =	shalt  }
0x56: {  	_ =	shalt  }
0x57: {  	_ =	shalt  }
0x58: {  	_ =	shalt  }
0x59: {  	_ =	shalt  }
0x5a: {  	_ =	shalt  }
0x5b: {  	_ =	shalt  }
0x5c: {  	_ =	shalt  }
0x5d: {  	_ =	shalt  }
0x5e: {  	_ =	shalt  }
0x5f: {  	_ =	shalt  }
0x60: {  	_ =	shalt  }
0x61: {  	_ =	shalt  }
0x62: {  	_ =	shalt  }
0x63: {  	_ =	shalt  }
0x64: {  	_ =	shalt  }
0x65: {  	_ =	shalt  }
0x66: {  	_ =	shalt  }
0x67: {  	_ =	shalt  }
0x68: {  	_ =	shalt  }
0x69: {  	_ =	shalt  }
0x6a: {  	_ =	shalt  }
0x6b: {  	_ =	shalt  }
0x6c: {  	_ =	shalt  }
0x6d: {  	_ =	shalt  }
0x6e: {  	_ =	shalt  }
0x6f: {  	_ =	shalt  }
0x70: {  	_ =	shalt  }
0x71: {  	_ =	shalt  }
0x72: {  	_ =	shalt  }
0x73: {  	_ =	shalt  }
0x74: {  	_ =	shalt  }
0x75: {  	_ =	shalt  }
0x76: {  	_ =	shalt  }
0x77: {  	_ =	shalt  }
0x78: {  	_ =	shalt  }
0x79: {  	_ =	shalt  }
0x7a: {  	_ =	shalt  }
0x7b: {  	_ =	shalt  }
0x7c: {  	_ =	shalt  }
0x7d: {  	_ =	shalt  }
0x7e: {  	_ =	shalt  }
0x7f: {  	_ =	shalt  }
0x80: {  	_ =	shalt  }
0x81: {  	_ =	shalt  }
0x82: {  	_ =	shalt  }
0x83: {  	_ =	shalt  }
0x84: {  	_ =	shalt  }
0x85: {  	_ =	shalt  }
0x86: {  	_ =	shalt  }
0x87: {  	_ =	shalt  }
.Lfunc_end0:
.L_simem_size_0:
called_computation.1_lowered:
.L_overlay_start_0:
0x88: {  	s2 =	sld [smem:$0x3FD9]  }
0x89: {  	s3 =	sld [smem:$0x3FFE];
	_ =	sdelay $0x1  }
0x8a: {  	s1 =	srdreg.scid  }
0x8b: {  	s0 =	sand.u32 $0x1, s1  }
0x8c: {  	s17 =	sshll.u32 s0, $0xA;
	s2 =	sadd.s32 s3, s2  }
0x8d: {  	s2 =	sadd.s32 s2, s17  }
0x8e: {  	[smem:$0x3FC4] =	sst s2  }
0x8f: {  	_ = 	snop  }
0x90: {  	s18 =	sld [smem:$0x3FC8];
	(tm) =	ssettm $0x1  }
0x91: {  	s19 =	sld [smem:$0x3FFB];
	_ =	sdelay $0x3  }
0x92: {  	_ =	strace s19  }
0x93: {  	s2 =	sld [smem:$0x3FFC];
	_ =	sdelay $0x3  }
0x94: {  	_ =	strace s2  }
0x95: {  	s2 =	sld [smem:$0x3FFD];
	_ =	sdelay $0x3  }
0x96: {  	_ =	strace s2  }
0x97: {  	_ =	strace $0x8FFFFFFF  }
0x98: {  	s20 =	sld [smem:$0x3FDB];
	_ =	sdelay $0x1  }
0x99: {  	s4 =	simm.s32 $_scs_section_size  }
0x9a: {  	s5 =	simm.s32 $_size__tile_overlayer_lowered;
	s6 =	simm.s32 $_tile_overlayer_lowered  }
0x9b: {  	s7 =	simm.s32 $0x1BFF;
	s21 =	sshll.u32 s6, $0x1;
	s4 =	sadd.s32 s4, s20  }
0x9c: {  	s22 =	simm.s32 $0x0;
	s5 =	sshll.u32 s5, $0x1;
	s6 =	sadd.s32 s21, s4  }
0x9d: {  	[timem:s22], [sflag:s7] =	dma.local [hbm:s6], s5  }
0x9e: {  	_ =	swait.ge [sflag:s7], s5  }
0x9f: {  	s5 =	ssub.s32 $0x0, s5;
	[sflag:s7] =	ssyncset.done $0x0  }
0xa0: {  	[sflag:s7] =	ssyncadd.s32 s5;
	_ =	sdelay $0x1  }
0xa1: {  	s23 =	simm.s32 $0x1B8B  }
0xa2: {  	_ =	swait.ge [sflag:s23], $0x1  }
0xa3: {  	[sflag:s23] =	ssyncset.done $0x0  }
0xa4: {  	[sflag:s23] =	ssyncadd.s32 $0xFFFFFFFF  }
0xa5: {  	s5 =	sld [smem:$0x0]  }
0xa6: {  	s6 =	sand.u32 $0xFFFFFFFE, s1  }
0xa7: {  	p0 =	sne.s32 s1, s6  }
0xa8: {  	s6 =	sshll.u32 @p0 s6, $0xE  }
0xa9: {  	s6 =	sadd.s32 @p0 $0x11B8D, s6;
	s7 =	sshll.u32 @p0 s5, $0x11  }
0xaa: {  	s6 =	sor.u32 @p0 s7, s6  }
0xab: {  	[sflag:s6] =	ssyncadd.remote.s32 @p0 $0x1;
	_ =	sdelay $0x1  }
0xac: {  	s6 =	simm.s32 @p0 $0x1B8D  }
0xad: {  	_ =	swait.eq @p0 [sflag:s6], $0x1  }
0xae: {  	[sflag:s6] =	ssyncadd.s32 @p0 $0xFFFFFFFF  }
0xaf: {  	s7 =	sshll.u32 @!p0 s1, $0xE  }
0xb0: {  	s7 =	sor.u32 @!p0 $0x4000, s7;
	s6 =	simm.s32 @!p0 $0x1B8D  }
0xb1: {  	s5 =	sshll.u32 @!p0 s5, $0x11;
	s7 =	sadd.s32 @!p0 $0x11B8D, s7;
	_ =	swait.eq @!p0 [sflag:s6], $0x1  }
0xb2: {  	s5 =	sor.u32 @!p0 s5, s7;
	[sflag:s6] =	ssyncadd.s32 @!p0 $0xFFFFFFFF  }
0xb3: {  	s25 =	simm.s32 $0x1B8E;
	s24 =	sld [smem:$0x3FFE];
	[sflag:s5] =	ssyncadd.remote.s32 @!p0 $0x1  }
0xb4: {  	s26 =	simm.s32 $execute0_lowered;
	[smem:$0x3FD2] =	sst s25  }
0xb5: {  	s6 =	sshll.u32 s26, $0x1;
	_ =	strace $0x80000049;
	[dreg:$0x1] =	wrdreg $0xFFFFFFFF  }
0xb6: {  	s28 =	simm.s32 $_size_execute0_lowered;
	s4 =	sadd.s32 s4, s6;
	[dreg:$0x0] =	wrdreg $0x0  }
0xb7: {  	s6 =	sshll.u32 s28, $0x1;
	[dreg:$0x2] =	wrdreg s4  }
0xb8: {  	[dreg:$0x3] =	wrdreg s6  }
0xb9: {  	[dreg:$0x4] =	wrdreg $0xC0  }
0xba: {  	_ =	task [dreg:s22], $0x5FFFF  }
0xbb: {  	[dreg:$0x1] =	wrdreg $0xFFFFFFFF  }
0xbc: {  	[dreg:$0x0] =	wrdreg $0x60  }
0xbd: {  	[dreg:$0x2] =	wrdreg s18  }
0xbe: {  	[dreg:$0x3] =	wrdreg s24  }
0xbf: {  	[dreg:$0x4] =	wrdreg $0xA  }
0xc0: {  	_ =	task.clear_ibuf [dreg:s22], $0x5FFFF;
	_ =	strace $0x90000049  }
0xc1: {  	s29 =	simm.s32 $0xA;
	_ =	strace $0x8000004B  }
0xc2: {  	_ =	swait.ge [sflag:s29], $0x1  }
0xc3: {  	[sflag:s29] =	ssyncadd.s32 $0xFFFFFFFF  }
0xc4: {  	_ =	strace $0x9000004B  }
0xc5: {  	_ =	sfence  }
0xc6: {  	s30 =	sld [smem:$0x0];
	_ =	sdelay $0x2  }
0xc7: {  	s31 =	sshll.u32 s1, $0xD;
	s1 =	sshrl.u32 s1, $0x2  }
0xc8: {  	s4 =	sand.u32 $0x4000, s31;
	s1 =	sadd.s32 s1, s30  }
0xc9: {  	s0 =	sor.u32 s4, s0;
	s1 =	sshll.u32 s1, $0x11  }
0xca: {  	s0 =	sor.u32 s1, s0  }
0xcb: {  	s0 =	sadd.s32 $0x8F2B, s0  }
0xcc: {  	[sflag:s0] =	ssyncadd.remote.s32 $0x1  }
0xcd: {  	_ =	sfence.sel $0xFFFF  }
0xce: {  	[dreg:$0x0] =	wrdreg $0xFFFFFFFF;
	(pc) =	sbr.abs _section_cstart, $3  }
0xcf: {  	[dreg:$0x1] =	wrdreg $0xFFFFFFFF  }
0xd0: {  	_ =	task.clear_ibuf [dreg:s22], $0x2FFFF;
	_ =	strace $0x9FFFFFFF  }
0xd1: {  	(tm) =	ssettm $0x7FFFFFFF  }
tec
execute0_lowered:
.L_overlay_start_1:
0x0: {  	(tag) =	ssettag $0x1  }
0x1: {  	s1 =	srdreg.scid;
	s0 =	stileid.u32  }
0x2: {  	s29 =	sand.u32 $0x1, s1;
	s31 =	sshll.u32 s0, $0x1  }
0x3: {  	s2 =	rddreg [dreg:$0x0];
	s14 =	sor.u32 s29, s31  }
0x4: {  	s10 =	rddreg [dreg:$0x1];
	s4 =	smul.u32 $0xA0, s14  }
0x5: {  	s3 =	simm.s32 $0x0;
	s1 =	rddreg [dreg:$0x2]  }
0x6: {  	[smem:$0x7FF] =	sst s3;
	s4 =	sadd.s32 s4, s10  }
0x7: {  	_ =	strace $0x8000004A;
	s5 =	sadd.s32 $0x2400, s4;
	s4 =	simm.s32 $0x3  }
0x8: {  	[tilespmem:s3], [sflag:$0x3] =	stream.linear.gather [hbm4b:s5+s3], $0x500, $0x38;
	[tilespmem:$0x8500] =	vst v63  }
0x9: {  	_ =	swait.ge [sflag:s4], $0x500  }
0xa: {  	[sflag:s4] =	ssyncset.done $0x0  }
0xb: {  	s6 =	simm.s32 $0x80;
	s7 =	simm.s32 $0x500;
	[sflag:s4] =	ssyncadd.s32 $0xFFFFFB00  }
0xc: {  	[tilespmem:s7], [sflag:$0x1] =	stream.indirect.gather [hbm4b:s2+s6], $0x80, s3, s6, $0xb8;
	[tilespmem:$0x8500] =	vst v63  }
0xd: {  	s8 =	simm.s32 $0x4500;
	s9 =	simm.s32 $0x1  }
0xe: {  	[tilespmem:s8], [sflag:$0x2] =	stream.indirect.gather [hbm4b:s2+s6], $0x80, s6, s6, $0xb8;
	[tilespmem:$0x8500] =	vst v63  }
0xf: {  	s11 =	smul.u32 $0x5000, s14;
	_ =	swait.ge [sflag:s9], $0x4000  }
0x10: {  	s15 =	sadd.s32 $0x3800, s10;
	[sflag:s9] =	ssyncset.done $0x0  }
0x11: {  	s10 =	sadd.s32 s15, s11;
	[sflag:s9] =	ssyncadd.s32 $0xFFFFC000  }
0x12: {  	[hbm4b:s10+s3] =	stream.linear.scatter [tilespmem:s7], [sflag:$0x3], $0x4000, $0x38;
	[tilespmem:$0x8500] =	vst v63  }
0x13: {  	_ =	swait.ge [sflag:s4], $0x4000  }
0x14: {  	[sflag:s4] =	ssyncset.done $0x0  }
0x15: {  	s12 =	simm.s32 $0x2;
	s11 =	simm.s32 $0x100;
	[sflag:s4] =	ssyncadd.s32 $0xFFFFC000  }
0x16: {  	[tilespmem:s7], [sflag:$0x1] =	stream.indirect.gather [hbm4b:s2+s6], $0x80, s11, s6, $0xb8;
	[tilespmem:$0x8500] =	vst v63  }
0x17: {  	_ =	swait.ge [sflag:s12], $0x4000  }
0x18: {  	[sflag:s12] =	ssyncset.done $0x0  }
0x19: {  	s13 =	sadd.s32 $0x800, s10;
	[sflag:s12] =	ssyncadd.s32 $0xFFFFC000  }
0x1a: {  	[hbm4b:s13+s3] =	stream.linear.scatter [tilespmem:s8], [sflag:$0x3], $0x4000, $0x38;
	[tilespmem:$0x8500] =	vst v63  }
0x1b: {  	_ =	swait.ge [sflag:s4], $0x4000  }
0x1c: {  	[sflag:s4] =	ssyncset.done $0x0  }
0x1d: {  	s16 =	smul.u32 $0x28000, s14;
	s14 =	simm.s32 $0x180;
	[sflag:s4] =	ssyncadd.s32 $0xFFFFC000  }
0x1e: {  	[tilespmem:s8], [sflag:$0x2] =	stream.indirect.gather [hbm4b:s2+s6], $0x80, s14, s6, $0xb8;
	[tilespmem:$0x8500] =	vst v63  }
0x1f: {  	s16 =	sshrl.u32 s16, $0x3;
	_ =	swait.ge [sflag:s9], $0x4000  }
0x20: {  	s30 =	sadd.s32 s15, s16;
	[sflag:s9] =	ssyncset.done $0x0  }
0x21: {  	s15 =	sadd.s32 $0x1000, s30;
	[sflag:s9] =	ssyncadd.s32 $0xFFFFC000  }
0x22: {  	[hbm4b:s15+s3] =	stream.linear.scatter [tilespmem:s7], [sflag:$0x3], $0x4000, $0x38;
	[tilespmem:$0x8500] =	vst v63  }
0x23: {  	_ =	swait.ge [sflag:s4], $0x4000  }
0x24: {  	[sflag:s4] =	ssyncset.done $0x0  }
0x25: {  	s16 =	simm.s32 $0x200;
	[sflag:s4] =	ssyncadd.s32 $0xFFFFC000  }
0x26: {  	[tilespmem:s7], [sflag:$0x1] =	stream.indirect.gather [hbm4b:s2+s6], $0x80, s16, s6, $0xb8;
	[tilespmem:$0x8500] =	vst v63  }
0x27: {  	_ =	swait.ge [sflag:s12], $0x4000  }
0x28: {  	[sflag:s12] =	ssyncset.done $0x0  }
0x29: {  	s17 =	sadd.s32 $0x1800, s30;
	[sflag:s12] =	ssyncadd.s32 $0xFFFFC000  }
0x2a: {  	[hbm4b:s17+s3] =	stream.linear.scatter [tilespmem:s8], [sflag:$0x3], $0x4000, $0x38;
	[tilespmem:$0x8500] =	vst v63  }
0x2b: {  	_ =	swait.ge [sflag:s4], $0x4000  }
0x2c: {  	[sflag:s4] =	ssyncset.done $0x0  }
0x2d: {  	s18 =	simm.s32 $0x280;
	[sflag:s4] =	ssyncadd.s32 $0xFFFFC000  }
0x2e: {  	[tilespmem:s8], [sflag:$0x2] =	stream.indirect.gather [hbm4b:s2+s6], $0x80, s18, s6, $0xb8;
	[tilespmem:$0x8500] =	vst v63  }
0x2f: {  	_ =	swait.ge [sflag:s9], $0x4000  }
0x30: {  	[sflag:s9] =	ssyncset.done $0x0  }
0x31: {  	s19 =	sadd.s32 $0x2000, s30;
	[sflag:s9] =	ssyncadd.s32 $0xFFFFC000  }
0x32: {  	[hbm4b:s19+s3] =	stream.linear.scatter [tilespmem:s7], [sflag:$0x3], $0x4000, $0x38;
	[tilespmem:$0x8500] =	vst v63  }
0x33: {  	_ =	swait.ge [sflag:s4], $0x4000  }
0x34: {  	[sflag:s4] =	ssyncset.done $0x0  }
0x35: {  	s20 =	simm.s32 $0x300;
	[sflag:s4] =	ssyncadd.s32 $0xFFFFC000  }
0x36: {  	[tilespmem:s7], [sflag:$0x1] =	stream.indirect.gather [hbm4b:s2+s6], $0x80, s20, s6, $0xb8;
	[tilespmem:$0x8500] =	vst v63  }
0x37: {  	_ =	swait.ge [sflag:s12], $0x4000  }
0x38: {  	[sflag:s12] =	ssyncset.done $0x0  }
0x39: {  	s21 =	sadd.s32 $0x2800, s30;
	[sflag:s12] =	ssyncadd.s32 $0xFFFFC000  }
0x3a: {  	[hbm4b:s21+s3] =	stream.linear.scatter [tilespmem:s8], [sflag:$0x3], $0x4000, $0x38;
	[tilespmem:$0x8500] =	vst v63  }
0x3b: {  	_ =	swait.ge [sflag:s4], $0x4000  }
0x3c: {  	[sflag:s4] =	ssyncset.done $0x0  }
0x3d: {  	s22 =	simm.s32 $0x380;
	[sflag:s4] =	ssyncadd.s32 $0xFFFFC000  }
0x3e: {  	[tilespmem:s8], [sflag:$0x2] =	stream.indirect.gather [hbm4b:s2+s6], $0x80, s22, s6, $0xb8;
	[tilespmem:$0x8500] =	vst v63  }
0x3f: {  	_ =	swait.ge [sflag:s9], $0x4000  }
0x40: {  	[sflag:s9] =	ssyncset.done $0x0  }
0x41: {  	s23 =	sadd.s32 $0x3000, s30;
	[sflag:s9] =	ssyncadd.s32 $0xFFFFC000  }
0x42: {  	[hbm4b:s23+s3] =	stream.linear.scatter [tilespmem:s7], [sflag:$0x3], $0x4000, $0x38;
	[tilespmem:$0x8500] =	vst v63  }
0x43: {  	_ =	swait.ge [sflag:s4], $0x4000  }
0x44: {  	[sflag:s4] =	ssyncset.done $0x0  }
0x45: {  	s24 =	simm.s32 $0x400;
	[sflag:s4] =	ssyncadd.s32 $0xFFFFC000  }
0x46: {  	[tilespmem:s7], [sflag:$0x1] =	stream.indirect.gather [hbm4b:s2+s6], $0x80, s24, s6, $0xb8;
	[tilespmem:$0x8500] =	vst v63  }
0x47: {  	_ =	swait.ge [sflag:s12], $0x4000  }
0x48: {  	[sflag:s12] =	ssyncset.done $0x0  }
0x49: {  	s25 =	sadd.s32 $0x3800, s30;
	[sflag:s12] =	ssyncadd.s32 $0xFFFFC000  }
0x4a: {  	[hbm4b:s25+s3] =	stream.linear.scatter [tilespmem:s8], [sflag:$0x3], $0x4000, $0x38;
	[tilespmem:$0x8500] =	vst v63  }
0x4b: {  	_ =	swait.ge [sflag:s4], $0x4000  }
0x4c: {  	[sflag:s4] =	ssyncset.done $0x0  }
0x4d: {  	s26 =	simm.s32 $0x480;
	[sflag:s4] =	ssyncadd.s32 $0xFFFFC000  }
0x4e: {  	[tilespmem:s8], [sflag:$0x2] =	stream.indirect.gather [hbm4b:s2+s6], $0x80, s26, s6, $0xb8;
	[tilespmem:$0x8500] =	vst v63  }
0x4f: {  	_ =	swait.ge [sflag:s9], $0x4000  }
0x50: {  	[sflag:s9] =	ssyncset.done $0x0  }
0x51: {  	s29 =	ssub.s32 $0x2, s29;
	s28 =	sadd.s32 $0x4000, s30;
	[sflag:s9] =	ssyncadd.s32 $0xFFFFC000  }
0x52: {  	[hbm4b:s28+s3] =	stream.linear.scatter [tilespmem:s7], [sflag:$0x3], $0x4000, $0x38;
	[tilespmem:$0x8500] =	vst v63  }
0x53: {  	s31 =	sshrl.u32 s29, $0x1;
	_ =	swait.ge [sflag:s4], $0x4000  }
0x54: {  	s31 =	ssub.s32 s29, s31;
	[sflag:s4] =	ssyncset.done $0x0  }
0x55: {  	s29 =	sadd.s32 $0x4800, s30;
	s30 =	smax.u32 s31, $0x1;
	[sflag:s4] =	ssyncadd.s32 $0xFFFFC000  }
0x56: {  	p0 =	sne.s32 s30, $0x1;
	_ =	swait.ge [sflag:s12], $0x4000  }
.Ltmp0:
0x57: {  	[sflag:s12] =	ssyncset.done $0x0;
	(pc) =	sbr.rel @!p0 .LBB2_2-.Ltmp0, $4  }
0x58: {  	[sflag:s12] =	ssyncadd.s32 $0xFFFFC000  }
0x59: {  	[hbm4b:s29+s3] =	stream.linear.scatter [tilespmem:s8], [sflag:$0x3], $0x4000, $0x38;
	[tilespmem:$0x8500] =	vst v63  }
0x5a: {  	_ =	swait.ge [sflag:s4], $0x4000  }
0x5b: {  	s30 =	sadd.s32 $0xFFFFFFFF, s30;
	[sflag:s4] =	ssyncset.done $0x0  }
.LBB2_1:
0x5c: {  	p0 =	sne.s32 s30, $0x1;
	s30 =	sadd.s32 $0xFFFFFFFF, s30;
	[sflag:s4] =	ssyncadd.s32 $0xFFFFC000  }
0x5d: {  	[tilespmem:s3], [sflag:$0x3] =	stream.linear.gather [hbm4b:s5+s3], $0x500, $0x38;
	[tilespmem:$0x8500] =	vst v63  }
0x5e: {  	_ =	swait.ge [sflag:s4], $0x500  }
0x5f: {  	[sflag:s4] =	ssyncset.done $0x0  }
0x60: {  	[sflag:s4] =	ssyncadd.s32 $0xFFFFFB00  }
0x61: {  	[tilespmem:s7], [sflag:$0x1] =	stream.indirect.gather [hbm4b:s2+s6], $0x80, s3, s6, $0xb8;
	[tilespmem:$0x8500] =	vst v63  }
0x62: {  	_ = 	snop  }
0x63: {  	[tilespmem:s8], [sflag:$0x2] =	stream.indirect.gather [hbm4b:s2+s6], $0x80, s6, s6, $0xb8;
	[tilespmem:$0x8500] =	vst v63  }
0x64: {  	_ =	swait.ge [sflag:s9], $0x4000  }
0x65: {  	[sflag:s9] =	ssyncset.done $0x0  }
0x66: {  	[sflag:s9] =	ssyncadd.s32 $0xFFFFC000  }
0x67: {  	[hbm4b:s10+s3] =	stream.linear.scatter [tilespmem:s7], [sflag:$0x3], $0x4000, $0x38;
	[tilespmem:$0x8500] =	vst v63  }
0x68: {  	_ =	swait.ge [sflag:s4], $0x4000  }
0x69: {  	[sflag:s4] =	ssyncset.done $0x0  }
0x6a: {  	[sflag:s4] =	ssyncadd.s32 $0xFFFFC000  }
0x6b: {  	[tilespmem:s7], [sflag:$0x1] =	stream.indirect.gather [hbm4b:s2+s6], $0x80, s11, s6, $0xb8;
	[tilespmem:$0x8500] =	vst v63  }
0x6c: {  	_ =	swait.ge [sflag:s12], $0x4000  }
0x6d: {  	[sflag:s12] =	ssyncset.done $0x0  }
0x6e: {  	[sflag:s12] =	ssyncadd.s32 $0xFFFFC000  }
0x6f: {  	[hbm4b:s13+s3] =	stream.linear.scatter [tilespmem:s8], [sflag:$0x3], $0x4000, $0x38;
	[tilespmem:$0x8500] =	vst v63  }
0x70: {  	_ =	swait.ge [sflag:s4], $0x4000  }
0x71: {  	[sflag:s4] =	ssyncset.done $0x0  }
0x72: {  	[sflag:s4] =	ssyncadd.s32 $0xFFFFC000  }
0x73: {  	[tilespmem:s8], [sflag:$0x2] =	stream.indirect.gather [hbm4b:s2+s6], $0x80, s14, s6, $0xb8;
	[tilespmem:$0x8500] =	vst v63  }
0x74: {  	_ =	swait.ge [sflag:s9], $0x4000  }
0x75: {  	[sflag:s9] =	ssyncset.done $0x0  }
0x76: {  	[sflag:s9] =	ssyncadd.s32 $0xFFFFC000  }
0x77: {  	[hbm4b:s15+s3] =	stream.linear.scatter [tilespmem:s7], [sflag:$0x3], $0x4000, $0x38;
	[tilespmem:$0x8500] =	vst v63  }
0x78: {  	_ =	swait.ge [sflag:s4], $0x4000  }
0x79: {  	[sflag:s4] =	ssyncset.done $0x0  }
0x7a: {  	[sflag:s4] =	ssyncadd.s32 $0xFFFFC000  }
0x7b: {  	[tilespmem:s7], [sflag:$0x1] =	stream.indirect.gather [hbm4b:s2+s6], $0x80, s16, s6, $0xb8;
	[tilespmem:$0x8500] =	vst v63  }
0x7c: {  	_ =	swait.ge [sflag:s12], $0x4000  }
0x7d: {  	[sflag:s12] =	ssyncset.done $0x0  }
0x7e: {  	[sflag:s12] =	ssyncadd.s32 $0xFFFFC000  }
0x7f: {  	[hbm4b:s17+s3] =	stream.linear.scatter [tilespmem:s8], [sflag:$0x3], $0x4000, $0x38;
	[tilespmem:$0x8500] =	vst v63  }
0x80: {  	_ =	swait.ge [sflag:s4], $0x4000  }
0x81: {  	[sflag:s4] =	ssyncset.done $0x0  }
0x82: {  	[sflag:s4] =	ssyncadd.s32 $0xFFFFC000  }
0x83: {  	[tilespmem:s8], [sflag:$0x2] =	stream.indirect.gather [hbm4b:s2+s6], $0x80, s18, s6, $0xb8;
	[tilespmem:$0x8500] =	vst v63  }
0x84: {  	_ =	swait.ge [sflag:s9], $0x4000  }
0x85: {  	[sflag:s9] =	ssyncset.done $0x0  }
0x86: {  	[sflag:s9] =	ssyncadd.s32 $0xFFFFC000  }
0x87: {  	[hbm4b:s19+s3] =	stream.linear.scatter [tilespmem:s7], [sflag:$0x3], $0x4000, $0x38;
	[tilespmem:$0x8500] =	vst v63  }
0x88: {  	_ =	swait.ge [sflag:s4], $0x4000  }
0x89: {  	[sflag:s4] =	ssyncset.done $0x0  }
0x8a: {  	[sflag:s4] =	ssyncadd.s32 $0xFFFFC000  }
0x8b: {  	[tilespmem:s7], [sflag:$0x1] =	stream.indirect.gather [hbm4b:s2+s6], $0x80, s20, s6, $0xb8;
	[tilespmem:$0x8500] =	vst v63  }
0x8c: {  	_ =	swait.ge [sflag:s12], $0x4000  }
0x8d: {  	[sflag:s12] =	ssyncset.done $0x0  }
0x8e: {  	[sflag:s12] =	ssyncadd.s32 $0xFFFFC000  }
0x8f: {  	[hbm4b:s21+s3] =	stream.linear.scatter [tilespmem:s8], [sflag:$0x3], $0x4000, $0x38;
	[tilespmem:$0x8500] =	vst v63  }
0x90: {  	_ =	swait.ge [sflag:s4], $0x4000  }
0x91: {  	[sflag:s4] =	ssyncset.done $0x0  }
0x92: {  	[sflag:s4] =	ssyncadd.s32 $0xFFFFC000  }
0x93: {  	[tilespmem:s8], [sflag:$0x2] =	stream.indirect.gather [hbm4b:s2+s6], $0x80, s22, s6, $0xb8;
	[tilespmem:$0x8500] =	vst v63  }
0x94: {  	_ =	swait.ge [sflag:s9], $0x4000  }
0x95: {  	[sflag:s9] =	ssyncset.done $0x0  }
0x96: {  	[sflag:s9] =	ssyncadd.s32 $0xFFFFC000  }
0x97: {  	[hbm4b:s23+s3] =	stream.linear.scatter [tilespmem:s7], [sflag:$0x3], $0x4000, $0x38;
	[tilespmem:$0x8500] =	vst v63  }
0x98: {  	_ =	swait.ge [sflag:s4], $0x4000  }
0x99: {  	[sflag:s4] =	ssyncset.done $0x0  }
0x9a: {  	[sflag:s4] =	ssyncadd.s32 $0xFFFFC000  }
0x9b: {  	[tilespmem:s7], [sflag:$0x1] =	stream.indirect.gather [hbm4b:s2+s6], $0x80, s24, s6, $0xb8;
	[tilespmem:$0x8500] =	vst v63  }
0x9c: {  	_ =	swait.ge [sflag:s12], $0x4000  }
0x9d: {  	[sflag:s12] =	ssyncset.done $0x0  }
0x9e: {  	[sflag:s12] =	ssyncadd.s32 $0xFFFFC000  }
0x9f: {  	[hbm4b:s25+s3] =	stream.linear.scatter [tilespmem:s8], [sflag:$0x3], $0x4000, $0x38;
	[tilespmem:$0x8500] =	vst v63  }
0xa0: {  	_ =	swait.ge [sflag:s4], $0x4000  }
0xa1: {  	[sflag:s4] =	ssyncset.done $0x0  }
0xa2: {  	[sflag:s4] =	ssyncadd.s32 $0xFFFFC000  }
0xa3: {  	[tilespmem:s8], [sflag:$0x2] =	stream.indirect.gather [hbm4b:s2+s6], $0x80, s26, s6, $0xb8;
	[tilespmem:$0x8500] =	vst v63  }
0xa4: {  	_ =	swait.ge [sflag:s9], $0x4000  }
0xa5: {  	[sflag:s9] =	ssyncset.done $0x0  }
0xa6: {  	[sflag:s9] =	ssyncadd.s32 $0xFFFFC000  }
0xa7: {  	[hbm4b:s28+s3] =	stream.linear.scatter [tilespmem:s7], [sflag:$0x3], $0x4000, $0x38;
	[tilespmem:$0x8500] =	vst v63  }
0xa8: {  	_ =	swait.ge [sflag:s4], $0x4000  }
0xa9: {  	[sflag:s4] =	ssyncset.done $0x0  }
0xaa: {  	[sflag:s4] =	ssyncadd.s32 $0xFFFFC000  }
0xab: {  	_ =	swait.ge [sflag:s12], $0x4000  }
.Ltmp1:
0xac: {  	[sflag:s12] =	ssyncset.done $0x0;
	(pc) =	sbr.rel @p0 .LBB2_1-.Ltmp1, $4  }
0xad: {  	[sflag:s12] =	ssyncadd.s32 $0xFFFFC000  }
0xae: {  	[hbm4b:s29+s3] =	stream.linear.scatter [tilespmem:s8], [sflag:$0x3], $0x4000, $0x38;
	[tilespmem:$0x8500] =	vst v63  }
0xaf: {  	_ =	swait.ge [sflag:s4], $0x4000  }
0xb0: {  	[sflag:s4] =	ssyncset.done $0x0  }
.LBB2_2:
0xb1: {  	[sflag:s4] =	ssyncadd.s32 $0xFFFFC000  }
0xb2: {  	_ =	sfence.sel $0x180000  }
0xb3: {  	[bflag:$0x0] =	sbarrier.arrive $0xFFFF  }
0xb4: {  	p0 =	sne.s32 s0, $0x0;
	_ =	strace $0x9000004A  }
0xb5: {  	s0 =	sadd.s32 @!p0 $0x100000, s1;
	[bflag:$0x2] =	sbarrier.arrive $0xFFFF  }
0xb6: {  	[sflag:s0] =	ssyncadd.tile.s32 @!p0 $0x1;
	_ =	shalt  }
.Lfunc_end2:
_tile_overlayer_lowered:
.L_overlay_start_2:
0xb7: {  	(tag) =	ssettag $0x2  }
0xb8: {  	s0 =	rddreg [dreg:$0x0];
	s2 =	stileid.u32  }
0xb9: {  	s1 =	rddreg [dreg:$0x1];
	p0 =	sne.s32 s2, $0x0  }
0xba: {  	s3 =	rddreg [dreg:$0x2];
	[bflag:$0x3] =	sbarrier.arrive $0xFFFF;
	s2 =	simm.s32 @!p0 $0x1C03  }
0xbb: {  	[timem:s3], [sflag:s2] =	dma.local @!p0 [hbm:s0], s1  }
0xbc: {  	s0 =	simm.s32 @!p0 $0x3  }
0xbd: {  	_ =	swait.ge @!p0 [sflag:s0], s1  }
0xbe: {  	s1 =	ssub.s32 @!p0 $0x0, s1;
	[sflag:s0] =	ssyncset.done @!p0 $0x0  }
0xbf: {  	[sflag:s0] =	ssyncadd.s32 @!p0 s1  }
0xc0: {  	[bflag:$0x3] =	sbarrier.arrive $0xFFFF  }
0xc1: {  	_ =	shalt  }

</sc_bundles>
